<compile_context>
chip_gen: v7x
topology: tpu7x:2x2x1
jax: 0.10.2.dev20260603
libtpu: 0.0.44.dev20260713+nightly
codegen_flags: <defaults>
</compile_context>

<pallas_src>
import functools

import jax
import jax.numpy as jnp
from jax import lax
from jax.experimental import pallas as pl
from jax.experimental.pallas import tpu as pltpu
from jax.experimental.pallas import tpu_sc as plsc

_NUM_EDGE_TYPE = 16
_EMBED_DIM = 128
_N_EDGES = 1600000

_NC = 2
_NS = 16
_NW = _NC * _NS
_SB = 80
_K = 5
_GROUP = _K * _SB
_B_PER_W = _N_EDGES // _NW
_NG = _B_PER_W // _GROUP
_IRING = 4


def _emb_body(idx_hbm, table_hbm, out_hbm, idx_v, rows_v, table_v,
              gsems, isem, ssem):
    wid = lax.axis_index("s") * _NC + lax.axis_index("c")
    row_base = wid * _B_PER_W

    @pl.when(lax.axis_index("s") == 0)
    def _():
        pltpu.sync_copy(table_hbm, table_v)

    plsc.subcore_barrier()

    def _idx_load_start(g, slot):
        pltpu.make_async_copy(idx_hbm.at[wid, g], idx_v.at[slot], isem).start()

    def _idx_load_wait():
        pltpu.make_async_copy(idx_hbm.at[0, 0], idx_v.at[0], isem).wait()

    def _gather_start(islot, rslot, k):
        pltpu.make_async_copy(
            table_v.at[idx_v.at[islot, k]],
            rows_v.at[rslot, pl.ds(k * _SB, _SB)],
            gsems[k],
        ).start()

    def _gather_wait(k):
        pltpu.make_async_copy(
            table_v.at[idx_v.at[0, 0]],
            rows_v.at[0, pl.ds(k * _SB, _SB)],
            gsems[k],
        ).wait()

    def _scatter_start(g, rslot, k):
        pltpu.make_async_copy(
            rows_v.at[rslot, pl.ds(k * _SB, _SB)],
            out_hbm.at[pl.ds(row_base + g * _GROUP + k * _SB, _SB)],
            ssem,
        ).start()

    def _scatter_wait_group():
        for _ in range(_K):
            pltpu.make_async_copy(
                rows_v.at[0, pl.ds(0, _SB)], out_hbm.at[pl.ds(0, _SB)], ssem
            ).wait()

    pltpu.sync_copy(idx_hbm.at[wid, 0], idx_v.at[0])
    if _NG > 1:
        _idx_load_start(1, 1)
    for k in range(_K):
        _gather_start(0, 0, k)

    def body(g, _):
        rslot = lax.rem(g, 2)
        nslot = lax.rem(g + 1, _IRING)

        @pl.when(g + 1 < _NG)
        def _():
            _idx_load_wait()

            @pl.when(g >= 1)
            def _():
                _scatter_wait_group()

        @pl.when(g + 2 < _NG)
        def _():
            _idx_load_start(g + 2, lax.rem(g + 2, _IRING))

        for k in range(_K):
            _gather_wait(k)
            _scatter_start(g, rslot, k)

            @pl.when(g + 1 < _NG)
            def _():
                _gather_start(nslot, 1 - rslot, k)

        return 0

    lax.fori_loop(0, _NG, body, 0)

    _scatter_wait_group()
    _scatter_wait_group()


@functools.partial(
    pl.kernel,
    mesh=plsc.VectorSubcoreMesh(core_axis_name="c", subcore_axis_name="s"),
    out_type=jax.ShapeDtypeStruct((_N_EDGES, _EMBED_DIM), jnp.float32),
    scratch_types=[
        pltpu.VMEM((_IRING, _K, _SB), jnp.int32),
        pltpu.VMEM((2, _GROUP, _EMBED_DIM), jnp.float32),
        pltpu.VMEM_SHARED((_NUM_EDGE_TYPE, _EMBED_DIM), jnp.float32),
        pltpu.SemaphoreType.DMA,
        pltpu.SemaphoreType.DMA,
        pltpu.SemaphoreType.DMA,
        pltpu.SemaphoreType.DMA,
        pltpu.SemaphoreType.DMA,
        pltpu.SemaphoreType.DMA,
        pltpu.SemaphoreType.DMA,
    ],
)
def _emb(idx_hbm, table_hbm, out_hbm, idx_v, rows_v, table_v,
         g0, g1, g2, g3, g4, isem, ssem):
    _emb_body(idx_hbm, table_hbm, out_hbm, idx_v, rows_v, table_v,
              [g0, g1, g2, g3, g4], isem, ssem)


def kernel(data, edge_type_table):
    idx4d = data.astype(jnp.int32).reshape(_NW, _NG, _K, _SB)
    return _emb(idx4d, edge_type_table)

# --- scband reference (transcript-rebuilt; emitter-appended) ---
"""Pipeline reference for scband-model-edge-embedding-14190571946310 (READ-ONLY COPY).

The authoritative reference and input builder live on the scoring server;
editing this copy changes nothing except your own understanding.
"""

import jax, jax.numpy as jnp
import numpy as np

NUM_EDGE_TYPE = 16
EMBED_DIM = 128
N_EDGES = 1600000

def setup_inputs(seed: int = 0) -> dict:
    key = jax.random.key(seed)
    k1, k2 = jax.random.split(key)
    data = jax.random.randint(k1, (N_EDGES,), 0, NUM_EDGE_TYPE, dtype=jnp.int64 if jax.config.jax_enable_x64 else jnp.int32)
    edge_type_table = jax.random.normal(k2, (NUM_EDGE_TYPE, EMBED_DIM), dtype=jnp.float32)
    return {"data": data, "edge_type_table": edge_type_table}

def reference(data, edge_type_table):
    # ModelEdgeEmbedding.forward with fusion_type='concat' and a single
    # embedding in the list: concat over last dim is identity on one tensor.
    emb = jnp.take(edge_type_table, data.astype(jnp.int32), axis=0)
    embedding_list = [emb]
    out = jnp.concatenate(embedding_list, axis=-1)
    return out

if __name__ == "__main__":
    import jax
    _d = setup_inputs()
    print(jax.jit(kernel)(*tuple(_d.values())))

</pallas_src>

<mosaic_0001>
#map = affine_map<(d0, d1) -> (0, 0, 0, 0)>
#map1 = affine_map<(d0, d1) -> (0, 0)>
module attributes {stable_mosaic.version = 14 : i64} {
  func.func @_emb(%arg0: i32, %arg1: i32, %arg2: memref<32x125x5x80xi32, #tpu.memory_space<hbm>>, %arg3: memref<16x128xf32, #tpu.memory_space<hbm>>, %arg4: memref<1600000x128xf32, #tpu.memory_space<hbm>>, %arg5: memref<4x5x80xi32, #tpu.memory_space<vmem>>, %arg6: memref<2x400x128xf32, #tpu.memory_space<vmem>>, %arg7: memref<16x128xf32, #tpu.memory_space<vmem_shared>>, %arg8: memref<!tpu.dma_semaphore, #tpu.memory_space<semaphore_mem>>, %arg9: memref<!tpu.dma_semaphore, #tpu.memory_space<semaphore_mem>>, %arg10: memref<!tpu.dma_semaphore, #tpu.memory_space<semaphore_mem>>, %arg11: memref<!tpu.dma_semaphore, #tpu.memory_space<semaphore_mem>>, %arg12: memref<!tpu.dma_semaphore, #tpu.memory_space<semaphore_mem>>, %arg13: memref<!tpu.dma_semaphore, #tpu.memory_space<semaphore_mem>>, %arg14: memref<!tpu.dma_semaphore, #tpu.memory_space<semaphore_mem>>) attributes {dimension_semantics = [#tpu.dimension_semantics<core_parallel>, #tpu.dimension_semantics<subcore_parallel>], iteration_bounds = array<i64: 2, 16>, scalar_prefetch = 0 : i64, scratch_operands = 10 : i64, tpu.core_type = #tpu.core_type<sc_vector_subcore>, window_params = [{transform_indices = #map}, {transform_indices = #map1}, {transform_indices = #map1}]} {
    %mul3A = arith.constant 2 : i32
    %mul3A_0 = arith.muli %arg1, %mul3A : i32
    %add3A = arith.addi %mul3A_0, %arg0 : i32
    %mul3A_1 = arith.constant 50000 : i32
    %mul3A_2 = arith.muli %add3A, %mul3A_1 : i32
    %eq3A = arith.constant 0 : i32
    %eq3A_3 = arith.cmpi eq, %arg1, %eq3A : i32
    %convert_element_type3A = arith.extui %eq3A_3 : i1 to i32
    %cond3A = arith.constant 0 : i32
    %cond3A_4 = arith.cmpi ne, %convert_element_type3A, %cond3A : i32
    scf.if %cond3A_4 {
      "tpu.region"() ({
        %run_scoped3A_243 = tpu.sem_alloc : memref<!tpu.dma_semaphore, #tpu.memory_space<semaphore_mem>>
        tpu.enqueue_dma source(%arg3 : memref<16x128xf32, #tpu.memory_space<hbm>>) target(%arg7 : memref<16x128xf32, #tpu.memory_space<vmem_shared>>) target_semaphore(%run_scoped3A_243 : memref<!tpu.dma_semaphore, #tpu.memory_space<semaphore_mem>>)
        tpu.wait_dma2 semaphore(%run_scoped3A_243 : memref<!tpu.dma_semaphore, #tpu.memory_space<semaphore_mem>>) src(%arg3 : memref<16x128xf32, #tpu.memory_space<hbm>>) dst(%arg7 : memref<16x128xf32, #tpu.memory_space<vmem_shared>>)
        tpu.yield
      }) : () -> ()
    } else {
    }
    %barrier3A = arith.constant 0 : index
    tpu.barrier barrier_id(%barrier3A)
    %run_scoped3A = arith.constant 0 : i32
    %run_scoped3A_5 = arith.constant 0 : i32
    "tpu.region"() ({
      %run_scoped3A_243 = tpu.sem_alloc : memref<!tpu.dma_semaphore, #tpu.memory_space<semaphore_mem>>
      %dma_start3A_244 = arith.constant 0 : i32
      %dma_start3A_245 = arith.constant 0 : i32
      %dma_start3A_246 = tpu.memref_slice %arg5[%run_scoped3A_5, %dma_start3A_244, %dma_start3A_245] : memref<4x5x80xi32, #tpu.memory_space<vmem>> -> memref<1x5x80xi32, #tpu.memory_space<vmem>>
      %dma_start3A_247 = tpu.memref_squeeze %dma_start3A_246 : memref<1x5x80xi32, #tpu.memory_space<vmem>> -> memref<5x80xi32, #tpu.memory_space<vmem>>
      %dma_start3A_248 = arith.constant 0 : i32
      %dma_start3A_249 = arith.constant 0 : i32
      %dma_start3A_250 = tpu.memref_slice %arg2[%add3A, %run_scoped3A, %dma_start3A_248, %dma_start3A_249] : memref<32x125x5x80xi32, #tpu.memory_space<hbm>> -> memref<1x1x5x80xi32, #tpu.memory_space<hbm>>
      %dma_start3A_251 = tpu.memref_squeeze %dma_start3A_250 : memref<1x1x5x80xi32, #tpu.memory_space<hbm>> -> memref<5x80xi32, #tpu.memory_space<hbm>>
      %dma_start3A_252 = arith.constant 0 : i32
      %dma_start3A_253 = arith.constant 0 : i32
      %dma_start3A_254 = tpu.memref_slice %arg5[%run_scoped3A_5, %dma_start3A_252, %dma_start3A_253] : memref<4x5x80xi32, #tpu.memory_space<vmem>> -> memref<1x5x80xi32, #tpu.memory_space<vmem>>
      %dma_start3A_255 = tpu.memref_squeeze %dma_start3A_254 : memref<1x5x80xi32, #tpu.memory_space<vmem>> -> memref<5x80xi32, #tpu.memory_space<vmem>>
      %dma_start3A_256 = arith.constant 0 : i32
      %dma_start3A_257 = arith.constant 0 : i32
      %dma_start3A_258 = tpu.memref_slice %arg2[%add3A, %run_scoped3A, %dma_start3A_256, %dma_start3A_257] : memref<32x125x5x80xi32, #tpu.memory_space<hbm>> -> memref<1x1x5x80xi32, #tpu.memory_space<hbm>>
      %dma_start3A_259 = tpu.memref_squeeze %dma_start3A_258 : memref<1x1x5x80xi32, #tpu.memory_space<hbm>> -> memref<5x80xi32, #tpu.memory_space<hbm>>
      tpu.enqueue_dma source(%dma_start3A_259 : memref<5x80xi32, #tpu.memory_space<hbm>>) target(%dma_start3A_255 : memref<5x80xi32, #tpu.memory_space<vmem>>) target_semaphore(%run_scoped3A_243 : memref<!tpu.dma_semaphore, #tpu.memory_space<semaphore_mem>>)
      %dma_wait3A_260 = arith.constant 0 : i32
      %dma_wait3A_261 = arith.constant 0 : i32
      %dma_wait3A_262 = tpu.memref_slice %arg5[%run_scoped3A_5, %dma_wait3A_260, %dma_wait3A_261] : memref<4x5x80xi32, #tpu.memory_space<vmem>> -> memref<1x5x80xi32, #tpu.memory_space<vmem>>
      %dma_wait3A_263 = tpu.memref_squeeze %dma_wait3A_262 : memref<1x5x80xi32, #tpu.memory_space<vmem>> -> memref<5x80xi32, #tpu.memory_space<vmem>>
      %dma_wait3A_264 = arith.constant 0 : i32
      %dma_wait3A_265 = arith.constant 0 : i32
      %dma_wait3A_266 = tpu.memref_slice %arg2[%add3A, %run_scoped3A, %dma_wait3A_264, %dma_wait3A_265] : memref<32x125x5x80xi32, #tpu.memory_space<hbm>> -> memref<1x1x5x80xi32, #tpu.memory_space<hbm>>
      %dma_wait3A_267 = tpu.memref_squeeze %dma_wait3A_266 : memref<1x1x5x80xi32, #tpu.memory_space<hbm>> -> memref<5x80xi32, #tpu.memory_space<hbm>>
      %dma_wait3A_268 = arith.constant 0 : i32
      %dma_wait3A_269 = arith.constant 0 : i32
      %dma_wait3A_270 = tpu.memref_slice %arg5[%run_scoped3A_5, %dma_wait3A_268, %dma_wait3A_269] : memref<4x5x80xi32, #tpu.memory_space<vmem>> -> memref<1x5x80xi32, #tpu.memory_space<vmem>>
      %dma_wait3A_271 = tpu.memref_squeeze %dma_wait3A_270 : memref<1x5x80xi32, #tpu.memory_space<vmem>> -> memref<5x80xi32, #tpu.memory_space<vmem>>
      %dma_wait3A_272 = arith.constant 0 : i32
      %dma_wait3A_273 = arith.constant 0 : i32
      %dma_wait3A_274 = tpu.memref_slice %arg2[%add3A, %run_scoped3A, %dma_wait3A_272, %dma_wait3A_273] : memref<32x125x5x80xi32, #tpu.memory_space<hbm>> -> memref<1x1x5x80xi32, #tpu.memory_space<hbm>>
      %dma_wait3A_275 = tpu.memref_squeeze %dma_wait3A_274 : memref<1x1x5x80xi32, #tpu.memory_space<hbm>> -> memref<5x80xi32, #tpu.memory_space<hbm>>
      tpu.wait_dma2 semaphore(%run_scoped3A_243 : memref<!tpu.dma_semaphore, #tpu.memory_space<semaphore_mem>>) src(%dma_wait3A_275 : memref<5x80xi32, #tpu.memory_space<hbm>>) dst(%dma_wait3A_271 : memref<5x80xi32, #tpu.memory_space<vmem>>)
      tpu.yield
    }) : () -> ()
    %dma_start3A = arith.constant 1 : i32
    %dma_start3A_6 = arith.constant 1 : i32
    %dma_start3A_7 = arith.constant 0 : i32
    %dma_start3A_8 = arith.constant 0 : i32
    %dma_start3A_9 = tpu.memref_slice %arg5[%dma_start3A_6, %dma_start3A_7, %dma_start3A_8] : memref<4x5x80xi32, #tpu.memory_space<vmem>> -> memref<1x5x80xi32, #tpu.memory_space<vmem>>
    %dma_start3A_10 = tpu.memref_squeeze %dma_start3A_9 : memref<1x5x80xi32, #tpu.memory_space<vmem>> -> memref<5x80xi32, #tpu.memory_space<vmem>>
    %dma_start3A_11 = arith.constant 0 : i32
    %dma_start3A_12 = arith.constant 0 : i32
    %dma_start3A_13 = tpu.memref_slice %arg2[%add3A, %dma_start3A, %dma_start3A_11, %dma_start3A_12] : memref<32x125x5x80xi32, #tpu.memory_space<hbm>> -> memref<1x1x5x80xi32, #tpu.memory_space<hbm>>
    %dma_start3A_14 = tpu.memref_squeeze %dma_start3A_13 : memref<1x1x5x80xi32, #tpu.memory_space<hbm>> -> memref<5x80xi32, #tpu.memory_space<hbm>>
    %dma_start3A_15 = arith.constant 0 : i32
    %dma_start3A_16 = arith.constant 0 : i32
    %dma_start3A_17 = tpu.memref_slice %arg5[%dma_start3A_6, %dma_start3A_15, %dma_start3A_16] : memref<4x5x80xi32, #tpu.memory_space<vmem>> -> memref<1x5x80xi32, #tpu.memory_space<vmem>>
    %dma_start3A_18 = tpu.memref_squeeze %dma_start3A_17 : memref<1x5x80xi32, #tpu.memory_space<vmem>> -> memref<5x80xi32, #tpu.memory_space<vmem>>
    %dma_start3A_19 = arith.constant 0 : i32
    %dma_start3A_20 = arith.constant 0 : i32
    %dma_start3A_21 = tpu.memref_slice %arg2[%add3A, %dma_start3A, %dma_start3A_19, %dma_start3A_20] : memref<32x125x5x80xi32, #tpu.memory_space<hbm>> -> memref<1x1x5x80xi32, #tpu.memory_space<hbm>>
    %dma_start3A_22 = tpu.memref_squeeze %dma_start3A_21 : memref<1x1x5x80xi32, #tpu.memory_space<hbm>> -> memref<5x80xi32, #tpu.memory_space<hbm>>
    tpu.enqueue_dma source(%dma_start3A_22 : memref<5x80xi32, #tpu.memory_space<hbm>>) target(%dma_start3A_18 : memref<5x80xi32, #tpu.memory_space<vmem>>) target_semaphore(%arg13 : memref<!tpu.dma_semaphore, #tpu.memory_space<semaphore_mem>>)
    %dma_start3A_23 = arith.constant 0 : i32
    %dma_start3A_24 = arith.constant 0 : i32
    %dma_start3A_25 = arith.constant 0 : i32
    %dma_start3A_26 = arith.constant 0 : i32
    %dma_start3A_27 = arith.constant 0 : i32
    %dma_start3A_28 = tpu.memref_slice %arg6[%dma_start3A_25, %dma_start3A_26, %dma_start3A_27] : memref<2x400x128xf32, #tpu.memory_space<vmem>> -> memref<1x80x128xf32, #tpu.memory_space<vmem>>
    %dma_start3A_29 = tpu.memref_squeeze %dma_start3A_28 : memref<1x80x128xf32, #tpu.memory_space<vmem>> -> memref<80x128xf32, #tpu.memory_space<vmem>>
    %dma_start3A_30 = arith.constant 0 : i32
    %dma_start3A_31 = tpu.memref_slice %arg5[%dma_start3A_23, %dma_start3A_24, %dma_start3A_30] : memref<4x5x80xi32, #tpu.memory_space<vmem>> -> memref<1x1x80xi32, #tpu.memory_space<vmem>>
    %dma_start3A_32 = tpu.memref_squeeze %dma_start3A_31 : memref<1x1x80xi32, #tpu.memory_space<vmem>> -> memref<80xi32, #tpu.memory_space<vmem>>
    %dma_start3A_33 = arith.constant 0 : i32
    %dma_start3A_34 = arith.constant 0 : i32
    %dma_start3A_35 = tpu.memref_slice %arg7[%dma_start3A_33, %dma_start3A_34] : memref<16x128xf32, #tpu.memory_space<vmem_shared>> -> memref<16x128xf32, #tpu.memory_space<vmem_shared>>
    tpu.enqueue_indirect_dma source(%dma_start3A_35 : memref<16x128xf32, #tpu.memory_space<vmem_shared>>) target(%dma_start3A_29 : memref<80x128xf32, #tpu.memory_space<vmem>>) offsets(%dma_start3A_32 : memref<80xi32, #tpu.memory_space<vmem>>) semaphore(%arg8 : memref<!tpu.dma_semaphore, #tpu.memory_space<semaphore_mem>>)
    %dma_start3A_36 = arith.constant 0 : i32
    %dma_start3A_37 = arith.constant 1 : i32
    %dma_start3A_38 = arith.constant 0 : i32
    %dma_start3A_39 = arith.constant 80 : i32
    %dma_start3A_40 = arith.constant 0 : i32
    %dma_start3A_41 = tpu.memref_slice %arg6[%dma_start3A_38, %dma_start3A_39, %dma_start3A_40] : memref<2x400x128xf32, #tpu.memory_space<vmem>> -> memref<1x80x128xf32, #tpu.memory_space<vmem>>
    %dma_start3A_42 = tpu.memref_squeeze %dma_start3A_41 : memref<1x80x128xf32, #tpu.memory_space<vmem>> -> memref<80x128xf32, #tpu.memory_space<vmem>>
    %dma_start3A_43 = arith.constant 0 : i32
    %dma_start3A_44 = tpu.memref_slice %arg5[%dma_start3A_36, %dma_start3A_37, %dma_start3A_43] : memref<4x5x80xi32, #tpu.memory_space<vmem>> -> memref<1x1x80xi32, #tpu.memory_space<vmem>>
    %dma_start3A_45 = tpu.memref_squeeze %dma_start3A_44 : memref<1x1x80xi32, #tpu.memory_space<vmem>> -> memref<80xi32, #tpu.memory_space<vmem>>
    %dma_start3A_46 = arith.constant 0 : i32
    %dma_start3A_47 = arith.constant 0 : i32
    %dma_start3A_48 = tpu.memref_slice %arg7[%dma_start3A_46, %dma_start3A_47] : memref<16x128xf32, #tpu.memory_space<vmem_shared>> -> memref<16x128xf32, #tpu.memory_space<vmem_shared>>
    tpu.enqueue_indirect_dma source(%dma_start3A_48 : memref<16x128xf32, #tpu.memory_space<vmem_shared>>) target(%dma_start3A_42 : memref<80x128xf32, #tpu.memory_space<vmem>>) offsets(%dma_start3A_45 : memref<80xi32, #tpu.memory_space<vmem>>) semaphore(%arg9 : memref<!tpu.dma_semaphore, #tpu.memory_space<semaphore_mem>>)
    %dma_start3A_49 = arith.constant 0 : i32
    %dma_start3A_50 = arith.constant 2 : i32
    %dma_start3A_51 = arith.constant 0 : i32
    %dma_start3A_52 = arith.constant 160 : i32
    %dma_start3A_53 = arith.constant 0 : i32
    %dma_start3A_54 = tpu.memref_slice %arg6[%dma_start3A_51, %dma_start3A_52, %dma_start3A_53] : memref<2x400x128xf32, #tpu.memory_space<vmem>> -> memref<1x80x128xf32, #tpu.memory_space<vmem>>
    %dma_start3A_55 = tpu.memref_squeeze %dma_start3A_54 : memref<1x80x128xf32, #tpu.memory_space<vmem>> -> memref<80x128xf32, #tpu.memory_space<vmem>>
    %dma_start3A_56 = arith.constant 0 : i32
    %dma_start3A_57 = tpu.memref_slice %arg5[%dma_start3A_49, %dma_start3A_50, %dma_start3A_56] : memref<4x5x80xi32, #tpu.memory_space<vmem>> -> memref<1x1x80xi32, #tpu.memory_space<vmem>>
    %dma_start3A_58 = tpu.memref_squeeze %dma_start3A_57 : memref<1x1x80xi32, #tpu.memory_space<vmem>> -> memref<80xi32, #tpu.memory_space<vmem>>
    %dma_start3A_59 = arith.constant 0 : i32
    %dma_start3A_60 = arith.constant 0 : i32
    %dma_start3A_61 = tpu.memref_slice %arg7[%dma_start3A_59, %dma_start3A_60] : memref<16x128xf32, #tpu.memory_space<vmem_shared>> -> memref<16x128xf32, #tpu.memory_space<vmem_shared>>
    tpu.enqueue_indirect_dma source(%dma_start3A_61 : memref<16x128xf32, #tpu.memory_space<vmem_shared>>) target(%dma_start3A_55 : memref<80x128xf32, #tpu.memory_space<vmem>>) offsets(%dma_start3A_58 : memref<80xi32, #tpu.memory_space<vmem>>) semaphore(%arg10 : memref<!tpu.dma_semaphore, #tpu.memory_space<semaphore_mem>>)
    %dma_start3A_62 = arith.constant 0 : i32
    %dma_start3A_63 = arith.constant 3 : i32
    %dma_start3A_64 = arith.constant 0 : i32
    %dma_start3A_65 = arith.constant 240 : i32
    %dma_start3A_66 = arith.constant 0 : i32
    %dma_start3A_67 = tpu.memref_slice %arg6[%dma_start3A_64, %dma_start3A_65, %dma_start3A_66] : memref<2x400x128xf32, #tpu.memory_space<vmem>> -> memref<1x80x128xf32, #tpu.memory_space<vmem>>
    %dma_start3A_68 = tpu.memref_squeeze %dma_start3A_67 : memref<1x80x128xf32, #tpu.memory_space<vmem>> -> memref<80x128xf32, #tpu.memory_space<vmem>>
    %dma_start3A_69 = arith.constant 0 : i32
    %dma_start3A_70 = tpu.memref_slice %arg5[%dma_start3A_62, %dma_start3A_63, %dma_start3A_69] : memref<4x5x80xi32, #tpu.memory_space<vmem>> -> memref<1x1x80xi32, #tpu.memory_space<vmem>>
    %dma_start3A_71 = tpu.memref_squeeze %dma_start3A_70 : memref<1x1x80xi32, #tpu.memory_space<vmem>> -> memref<80xi32, #tpu.memory_space<vmem>>
    %dma_start3A_72 = arith.constant 0 : i32
    %dma_start3A_73 = arith.constant 0 : i32
    %dma_start3A_74 = tpu.memref_slice %arg7[%dma_start3A_72, %dma_start3A_73] : memref<16x128xf32, #tpu.memory_space<vmem_shared>> -> memref<16x128xf32, #tpu.memory_space<vmem_shared>>
    tpu.enqueue_indirect_dma source(%dma_start3A_74 : memref<16x128xf32, #tpu.memory_space<vmem_shared>>) target(%dma_start3A_68 : memref<80x128xf32, #tpu.memory_space<vmem>>) offsets(%dma_start3A_71 : memref<80xi32, #tpu.memory_space<vmem>>) semaphore(%arg11 : memref<!tpu.dma_semaphore, #tpu.memory_space<semaphore_mem>>)
    %dma_start3A_75 = arith.constant 0 : i32
    %dma_start3A_76 = arith.constant 4 : i32
    %dma_start3A_77 = arith.constant 0 : i32
    %dma_start3A_78 = arith.constant 320 : i32
    %dma_start3A_79 = arith.constant 0 : i32
    %dma_start3A_80 = tpu.memref_slice %arg6[%dma_start3A_77, %dma_start3A_78, %dma_start3A_79] : memref<2x400x128xf32, #tpu.memory_space<vmem>> -> memref<1x80x128xf32, #tpu.memory_space<vmem>>
    %dma_start3A_81 = tpu.memref_squeeze %dma_start3A_80 : memref<1x80x128xf32, #tpu.memory_space<vmem>> -> memref<80x128xf32, #tpu.memory_space<vmem>>
    %dma_start3A_82 = arith.constant 0 : i32
    %dma_start3A_83 = tpu.memref_slice %arg5[%dma_start3A_75, %dma_start3A_76, %dma_start3A_82] : memref<4x5x80xi32, #tpu.memory_space<vmem>> -> memref<1x1x80xi32, #tpu.memory_space<vmem>>
    %dma_start3A_84 = tpu.memref_squeeze %dma_start3A_83 : memref<1x1x80xi32, #tpu.memory_space<vmem>> -> memref<80xi32, #tpu.memory_space<vmem>>
    %dma_start3A_85 = arith.constant 0 : i32
    %dma_start3A_86 = arith.constant 0 : i32
    %dma_start3A_87 = tpu.memref_slice %arg7[%dma_start3A_85, %dma_start3A_86] : memref<16x128xf32, #tpu.memory_space<vmem_shared>> -> memref<16x128xf32, #tpu.memory_space<vmem_shared>>
    tpu.enqueue_indirect_dma source(%dma_start3A_87 : memref<16x128xf32, #tpu.memory_space<vmem_shared>>) target(%dma_start3A_81 : memref<80x128xf32, #tpu.memory_space<vmem>>) offsets(%dma_start3A_84 : memref<80xi32, #tpu.memory_space<vmem>>) semaphore(%arg12 : memref<!tpu.dma_semaphore, #tpu.memory_space<semaphore_mem>>)
    %scan3A = arith.constant 0 : i32
    %scan3A_88 = arith.constant 0 : i32
    %scan3A_89 = arith.constant 125 : i32
    %scan3A_90 = arith.addi %scan3A_88, %scan3A_89 : i32
    %scan3A_91 = arith.constant 1 : i32
    %scan3A_92 = scf.for %scan3A_243 = %scan3A_88 to %scan3A_90 step %scan3A_91 iter_args(%scan3A_244 = %scan3A) -> (i32)  : i32 {
      %rem3A = arith.constant 2 : i32
      %rem3A_245 = arith.remsi %scan3A_243, %rem3A : i32
      %add3A_246 = arith.constant 1 : i32
      %add3A_247 = arith.addi %scan3A_243, %add3A_246 : i32
      %rem3A_248 = arith.constant 4 : i32
      %rem3A_249 = arith.remsi %add3A_247, %rem3A_248 : i32
      %add3A_250 = arith.constant 1 : i32
      %add3A_251 = arith.addi %scan3A_243, %add3A_250 : i32
      %lt3A = arith.constant 125 : i32
      %lt3A_252 = arith.cmpi slt, %add3A_251, %lt3A : i32
      %convert_element_type3A_253 = arith.extui %lt3A_252 : i1 to i32
      %cond3A_254 = arith.constant 0 : i32
      %cond3A_255 = arith.cmpi ne, %convert_element_type3A_253, %cond3A_254 : i32
      scf.if %cond3A_255 {
        %dma_wait3A_449 = arith.constant 0 : i32
        %dma_wait3A_450 = arith.constant 0 : i32
        %dma_wait3A_451 = arith.constant 0 : i32
        %dma_wait3A_452 = arith.constant 0 : i32
        %dma_wait3A_453 = arith.constant 0 : i32
        %dma_wait3A_454 = tpu.memref_slice %arg5[%dma_wait3A_451, %dma_wait3A_452, %dma_wait3A_453] : memref<4x5x80xi32, #tpu.memory_space<vmem>> -> memref<1x5x80xi32, #tpu.memory_space<vmem>>
        %dma_wait3A_455 = tpu.memref_squeeze %dma_wait3A_454 : memref<1x5x80xi32, #tpu.memory_space<vmem>> -> memref<5x80xi32, #tpu.memory_space<vmem>>
        %dma_wait3A_456 = arith.constant 0 : i32
        %dma_wait3A_457 = arith.constant 0 : i32
        %dma_wait3A_458 = tpu.memref_slice %arg2[%dma_wait3A_449, %dma_wait3A_450, %dma_wait3A_456, %dma_wait3A_457] : memref<32x125x5x80xi32, #tpu.memory_space<hbm>> -> memref<1x1x5x80xi32, #tpu.memory_space<hbm>>
        %dma_wait3A_459 = tpu.memref_squeeze %dma_wait3A_458 : memref<1x1x5x80xi32, #tpu.memory_space<hbm>> -> memref<5x80xi32, #tpu.memory_space<hbm>>
        %dma_wait3A_460 = arith.constant 0 : i32
        %dma_wait3A_461 = arith.constant 0 : i32
        %dma_wait3A_462 = tpu.memref_slice %arg5[%dma_wait3A_451, %dma_wait3A_460, %dma_wait3A_461] : memref<4x5x80xi32, #tpu.memory_space<vmem>> -> memref<1x5x80xi32, #tpu.memory_space<vmem>>
        %dma_wait3A_463 = tpu.memref_squeeze %dma_wait3A_462 : memref<1x5x80xi32, #tpu.memory_space<vmem>> -> memref<5x80xi32, #tpu.memory_space<vmem>>
        %dma_wait3A_464 = arith.constant 0 : i32
        %dma_wait3A_465 = arith.constant 0 : i32
        %dma_wait3A_466 = tpu.memref_slice %arg2[%dma_wait3A_449, %dma_wait3A_450, %dma_wait3A_464, %dma_wait3A_465] : memref<32x125x5x80xi32, #tpu.memory_space<hbm>> -> memref<1x1x5x80xi32, #tpu.memory_space<hbm>>
        %dma_wait3A_467 = tpu.memref_squeeze %dma_wait3A_466 : memref<1x1x5x80xi32, #tpu.memory_space<hbm>> -> memref<5x80xi32, #tpu.memory_space<hbm>>
        tpu.wait_dma2 semaphore(%arg13 : memref<!tpu.dma_semaphore, #tpu.memory_space<semaphore_mem>>) src(%dma_wait3A_467 : memref<5x80xi32, #tpu.memory_space<hbm>>) dst(%dma_wait3A_463 : memref<5x80xi32, #tpu.memory_space<vmem>>)
        %ge3A = arith.constant 1 : i32
        %ge3A_468 = arith.cmpi sge, %scan3A_243, %ge3A : i32
        %convert_element_type3A_469 = arith.extui %ge3A_468 : i1 to i32
        %cond3A_470 = arith.constant 0 : i32
        %cond3A_471 = arith.cmpi ne, %convert_element_type3A_469, %cond3A_470 : i32
        scf.if %cond3A_471 {
          %dma_wait3A_472 = arith.constant 0 : i32
          %dma_wait3A_473 = arith.constant 0 : i32
          %dma_wait3A_474 = arith.constant 0 : i32
          %dma_wait3A_475 = tpu.memref_slice %arg6[%dma_wait3A_472, %dma_wait3A_473, %dma_wait3A_474] : memref<2x400x128xf32, #tpu.memory_space<vmem>> -> memref<1x80x128xf32, #tpu.memory_space<vmem>>
          %dma_wait3A_476 = tpu.memref_squeeze %dma_wait3A_475 : memref<1x80x128xf32, #tpu.memory_space<vmem>> -> memref<80x128xf32, #tpu.memory_space<vmem>>
          %dma_wait3A_477 = arith.constant 0 : i32
          %dma_wait3A_478 = arith.constant 0 : i32
          %dma_wait3A_479 = tpu.memref_slice %arg4[%dma_wait3A_477, %dma_wait3A_478] : memref<1600000x128xf32, #tpu.memory_space<hbm>> -> memref<80x128xf32, #tpu.memory_space<hbm>>
          %dma_wait3A_480 = arith.constant 0 : i32
          %dma_wait3A_481 = arith.constant 0 : i32
          %dma_wait3A_482 = tpu.memref_slice %arg4[%dma_wait3A_480, %dma_wait3A_481] : memref<1600000x128xf32, #tpu.memory_space<hbm>> -> memref<80x128xf32, #tpu.memory_space<hbm>>
          %dma_wait3A_483 = arith.constant 0 : i32
          %dma_wait3A_484 = arith.constant 0 : i32
          %dma_wait3A_485 = tpu.memref_slice %arg6[%dma_wait3A_472, %dma_wait3A_483, %dma_wait3A_484] : memref<2x400x128xf32, #tpu.memory_space<vmem>> -> memref<1x80x128xf32, #tpu.memory_space<vmem>>
          %dma_wait3A_486 = tpu.memref_squeeze %dma_wait3A_485 : memref<1x80x128xf32, #tpu.memory_space<vmem>> -> memref<80x128xf32, #tpu.memory_space<vmem>>
          tpu.wait_dma2 semaphore(%arg14 : memref<!tpu.dma_semaphore, #tpu.memory_space<semaphore_mem>>) src(%dma_wait3A_486 : memref<80x128xf32, #tpu.memory_space<vmem>>) dst(%dma_wait3A_482 : memref<80x128xf32, #tpu.memory_space<hbm>>)
          %dma_wait3A_487 = arith.constant 0 : i32
          %dma_wait3A_488 = arith.constant 0 : i32
          %dma_wait3A_489 = arith.constant 0 : i32
          %dma_wait3A_490 = tpu.memref_slice %arg6[%dma_wait3A_487, %dma_wait3A_488, %dma_wait3A_489] : memref<2x400x128xf32, #tpu.memory_space<vmem>> -> memref<1x80x128xf32, #tpu.memory_space<vmem>>
          %dma_wait3A_491 = tpu.memref_squeeze %dma_wait3A_490 : memref<1x80x128xf32, #tpu.memory_space<vmem>> -> memref<80x128xf32, #tpu.memory_space<vmem>>
          %dma_wait3A_492 = arith.constant 0 : i32
          %dma_wait3A_493 = arith.constant 0 : i32
          %dma_wait3A_494 = tpu.memref_slice %arg4[%dma_wait3A_492, %dma_wait3A_493] : memref<1600000x128xf32, #tpu.memory_space<hbm>> -> memref<80x128xf32, #tpu.memory_space<hbm>>
          %dma_wait3A_495 = arith.constant 0 : i32
          %dma_wait3A_496 = arith.constant 0 : i32
          %dma_wait3A_497 = tpu.memref_slice %arg4[%dma_wait3A_495, %dma_wait3A_496] : memref<1600000x128xf32, #tpu.memory_space<hbm>> -> memref<80x128xf32, #tpu.memory_space<hbm>>
          %dma_wait3A_498 = arith.constant 0 : i32
          %dma_wait3A_499 = arith.constant 0 : i32
          %dma_wait3A_500 = tpu.memref_slice %arg6[%dma_wait3A_487, %dma_wait3A_498, %dma_wait3A_499] : memref<2x400x128xf32, #tpu.memory_space<vmem>> -> memref<1x80x128xf32, #tpu.memory_space<vmem>>
          %dma_wait3A_501 = tpu.memref_squeeze %dma_wait3A_500 : memref<1x80x128xf32, #tpu.memory_space<vmem>> -> memref<80x128xf32, #tpu.memory_space<vmem>>
          tpu.wait_dma2 semaphore(%arg14 : memref<!tpu.dma_semaphore, #tpu.memory_space<semaphore_mem>>) src(%dma_wait3A_501 : memref<80x128xf32, #tpu.memory_space<vmem>>) dst(%dma_wait3A_497 : memref<80x128xf32, #tpu.memory_space<hbm>>)
          %dma_wait3A_502 = arith.constant 0 : i32
          %dma_wait3A_503 = arith.constant 0 : i32
          %dma_wait3A_504 = arith.constant 0 : i32
          %dma_wait3A_505 = tpu.memref_slice %arg6[%dma_wait3A_502, %dma_wait3A_503, %dma_wait3A_504] : memref<2x400x128xf32, #tpu.memory_space<vmem>> -> memref<1x80x128xf32, #tpu.memory_space<vmem>>
          %dma_wait3A_506 = tpu.memref_squeeze %dma_wait3A_505 : memref<1x80x128xf32, #tpu.memory_space<vmem>> -> memref<80x128xf32, #tpu.memory_space<vmem>>
          %dma_wait3A_507 = arith.constant 0 : i32
          %dma_wait3A_508 = arith.constant 0 : i32
          %dma_wait3A_509 = tpu.memref_slice %arg4[%dma_wait3A_507, %dma_wait3A_508] : memref<1600000x128xf32, #tpu.memory_space<hbm>> -> memref<80x128xf32, #tpu.memory_space<hbm>>
          %dma_wait3A_510 = arith.constant 0 : i32
          %dma_wait3A_511 = arith.constant 0 : i32
          %dma_wait3A_512 = tpu.memref_slice %arg4[%dma_wait3A_510, %dma_wait3A_511] : memref<1600000x128xf32, #tpu.memory_space<hbm>> -> memref<80x128xf32, #tpu.memory_space<hbm>>
          %dma_wait3A_513 = arith.constant 0 : i32
          %dma_wait3A_514 = arith.constant 0 : i32
          %dma_wait3A_515 = tpu.memref_slice %arg6[%dma_wait3A_502, %dma_wait3A_513, %dma_wait3A_514] : memref<2x400x128xf32, #tpu.memory_space<vmem>> -> memref<1x80x128xf32, #tpu.memory_space<vmem>>
          %dma_wait3A_516 = tpu.memref_squeeze %dma_wait3A_515 : memref<1x80x128xf32, #tpu.memory_space<vmem>> -> memref<80x128xf32, #tpu.memory_space<vmem>>
          tpu.wait_dma2 semaphore(%arg14 : memref<!tpu.dma_semaphore, #tpu.memory_space<semaphore_mem>>) src(%dma_wait3A_516 : memref<80x128xf32, #tpu.memory_space<vmem>>) dst(%dma_wait3A_512 : memref<80x128xf32, #tpu.memory_space<hbm>>)
          %dma_wait3A_517 = arith.constant 0 : i32
          %dma_wait3A_518 = arith.constant 0 : i32
          %dma_wait3A_519 = arith.constant 0 : i32
          %dma_wait3A_520 = tpu.memref_slice %arg6[%dma_wait3A_517, %dma_wait3A_518, %dma_wait3A_519] : memref<2x400x128xf32, #tpu.memory_space<vmem>> -> memref<1x80x128xf32, #tpu.memory_space<vmem>>
          %dma_wait3A_521 = tpu.memref_squeeze %dma_wait3A_520 : memref<1x80x128xf32, #tpu.memory_space<vmem>> -> memref<80x128xf32, #tpu.memory_space<vmem>>
          %dma_wait3A_522 = arith.constant 0 : i32
          %dma_wait3A_523 = arith.constant 0 : i32
          %dma_wait3A_524 = tpu.memref_slice %arg4[%dma_wait3A_522, %dma_wait3A_523] : memref<1600000x128xf32, #tpu.memory_space<hbm>> -> memref<80x128xf32, #tpu.memory_space<hbm>>
          %dma_wait3A_525 = arith.constant 0 : i32
          %dma_wait3A_526 = arith.constant 0 : i32
          %dma_wait3A_527 = tpu.memref_slice %arg4[%dma_wait3A_525, %dma_wait3A_526] : memref<1600000x128xf32, #tpu.memory_space<hbm>> -> memref<80x128xf32, #tpu.memory_space<hbm>>
          %dma_wait3A_528 = arith.constant 0 : i32
          %dma_wait3A_529 = arith.constant 0 : i32
          %dma_wait3A_530 = tpu.memref_slice %arg6[%dma_wait3A_517, %dma_wait3A_528, %dma_wait3A_529] : memref<2x400x128xf32, #tpu.memory_space<vmem>> -> memref<1x80x128xf32, #tpu.memory_space<vmem>>
          %dma_wait3A_531 = tpu.memref_squeeze %dma_wait3A_530 : memref<1x80x128xf32, #tpu.memory_space<vmem>> -> memref<80x128xf32, #tpu.memory_space<vmem>>
          tpu.wait_dma2 semaphore(%arg14 : memref<!tpu.dma_semaphore, #tpu.memory_space<semaphore_mem>>) src(%dma_wait3A_531 : memref<80x128xf32, #tpu.memory_space<vmem>>) dst(%dma_wait3A_527 : memref<80x128xf32, #tpu.memory_space<hbm>>)
          %dma_wait3A_532 = arith.constant 0 : i32
          %dma_wait3A_533 = arith.constant 0 : i32
          %dma_wait3A_534 = arith.constant 0 : i32
          %dma_wait3A_535 = tpu.memref_slice %arg6[%dma_wait3A_532, %dma_wait3A_533, %dma_wait3A_534] : memref<2x400x128xf32, #tpu.memory_space<vmem>> -> memref<1x80x128xf32, #tpu.memory_space<vmem>>
          %dma_wait3A_536 = tpu.memref_squeeze %dma_wait3A_535 : memref<1x80x128xf32, #tpu.memory_space<vmem>> -> memref<80x128xf32, #tpu.memory_space<vmem>>
          %dma_wait3A_537 = arith.constant 0 : i32
          %dma_wait3A_538 = arith.constant 0 : i32
          %dma_wait3A_539 = tpu.memref_slice %arg4[%dma_wait3A_537, %dma_wait3A_538] : memref<1600000x128xf32, #tpu.memory_space<hbm>> -> memref<80x128xf32, #tpu.memory_space<hbm>>
          %dma_wait3A_540 = arith.constant 0 : i32
          %dma_wait3A_541 = arith.constant 0 : i32
          %dma_wait3A_542 = tpu.memref_slice %arg4[%dma_wait3A_540, %dma_wait3A_541] : memref<1600000x128xf32, #tpu.memory_space<hbm>> -> memref<80x128xf32, #tpu.memory_space<hbm>>
          %dma_wait3A_543 = arith.constant 0 : i32
          %dma_wait3A_544 = arith.constant 0 : i32
          %dma_wait3A_545 = tpu.memref_slice %arg6[%dma_wait3A_532, %dma_wait3A_543, %dma_wait3A_544] : memref<2x400x128xf32, #tpu.memory_space<vmem>> -> memref<1x80x128xf32, #tpu.memory_space<vmem>>
          %dma_wait3A_546 = tpu.memref_squeeze %dma_wait3A_545 : memref<1x80x128xf32, #tpu.memory_space<vmem>> -> memref<80x128xf32, #tpu.memory_space<vmem>>
          tpu.wait_dma2 semaphore(%arg14 : memref<!tpu.dma_semaphore, #tpu.memory_space<semaphore_mem>>) src(%dma_wait3A_546 : memref<80x128xf32, #tpu.memory_space<vmem>>) dst(%dma_wait3A_542 : memref<80x128xf32, #tpu.memory_space<hbm>>)
        } else {
        }
      } else {
      }
      %add3A_256 = arith.constant 2 : i32
      %add3A_257 = arith.addi %scan3A_243, %add3A_256 : i32
      %lt3A_258 = arith.constant 125 : i32
      %lt3A_259 = arith.cmpi slt, %add3A_257, %lt3A_258 : i32
      %convert_element_type3A_260 = arith.extui %lt3A_259 : i1 to i32
      %cond3A_261 = arith.constant 0 : i32
      %cond3A_262 = arith.cmpi ne, %convert_element_type3A_260, %cond3A_261 : i32
      scf.if %cond3A_262 {
        %add3A_449 = arith.constant 2 : i32
        %add3A_450 = arith.addi %scan3A_243, %add3A_449 : i32
        %add3A_451 = arith.constant 2 : i32
        %add3A_452 = arith.addi %scan3A_243, %add3A_451 : i32
        %rem3A_453 = arith.constant 4 : i32
        %rem3A_454 = arith.remsi %add3A_452, %rem3A_453 : i32
        %dma_start3A_455 = arith.constant 0 : i32
        %dma_start3A_456 = arith.constant 0 : i32
        %dma_start3A_457 = tpu.memref_slice %arg5[%rem3A_454, %dma_start3A_455, %dma_start3A_456] : memref<4x5x80xi32, #tpu.memory_space<vmem>> -> memref<1x5x80xi32, #tpu.memory_space<vmem>>
        %dma_start3A_458 = tpu.memref_squeeze %dma_start3A_457 : memref<1x5x80xi32, #tpu.memory_space<vmem>> -> memref<5x80xi32, #tpu.memory_space<vmem>>
        %dma_start3A_459 = arith.constant 0 : i32
        %dma_start3A_460 = arith.constant 0 : i32
        %dma_start3A_461 = tpu.memref_slice %arg2[%add3A, %add3A_450, %dma_start3A_459, %dma_start3A_460] : memref<32x125x5x80xi32, #tpu.memory_space<hbm>> -> memref<1x1x5x80xi32, #tpu.memory_space<hbm>>
        %dma_start3A_462 = tpu.memref_squeeze %dma_start3A_461 : memref<1x1x5x80xi32, #tpu.memory_space<hbm>> -> memref<5x80xi32, #tpu.memory_space<hbm>>
        %dma_start3A_463 = arith.constant 0 : i32
        %dma_start3A_464 = arith.constant 0 : i32
        %dma_start3A_465 = tpu.memref_slice %arg5[%rem3A_454, %dma_start3A_463, %dma_start3A_464] : memref<4x5x80xi32, #tpu.memory_space<vmem>> -> memref<1x5x80xi32, #tpu.memory_space<vmem>>
        %dma_start3A_466 = tpu.memref_squeeze %dma_start3A_465 : memref<1x5x80xi32, #tpu.memory_space<vmem>> -> memref<5x80xi32, #tpu.memory_space<vmem>>
        %dma_start3A_467 = arith.constant 0 : i32
        %dma_start3A_468 = arith.constant 0 : i32
        %dma_start3A_469 = tpu.memref_slice %arg2[%add3A, %add3A_450, %dma_start3A_467, %dma_start3A_468] : memref<32x125x5x80xi32, #tpu.memory_space<hbm>> -> memref<1x1x5x80xi32, #tpu.memory_space<hbm>>
        %dma_start3A_470 = tpu.memref_squeeze %dma_start3A_469 : memref<1x1x5x80xi32, #tpu.memory_space<hbm>> -> memref<5x80xi32, #tpu.memory_space<hbm>>
        tpu.enqueue_dma source(%dma_start3A_470 : memref<5x80xi32, #tpu.memory_space<hbm>>) target(%dma_start3A_466 : memref<5x80xi32, #tpu.memory_space<vmem>>) target_semaphore(%arg13 : memref<!tpu.dma_semaphore, #tpu.memory_space<semaphore_mem>>)
      } else {
      }
      %dma_wait3A_263 = arith.constant 0 : i32
      %dma_wait3A_264 = arith.constant 0 : i32
      %dma_wait3A_265 = arith.constant 0 : i32
      %dma_wait3A_266 = arith.constant 0 : i32
      %dma_wait3A_267 = arith.constant 0 : i32
      %dma_wait3A_268 = tpu.memref_slice %arg6[%dma_wait3A_265, %dma_wait3A_266, %dma_wait3A_267] : memref<2x400x128xf32, #tpu.memory_space<vmem>> -> memref<1x80x128xf32, #tpu.memory_space<vmem>>
      %dma_wait3A_269 = tpu.memref_squeeze %dma_wait3A_268 : memref<1x80x128xf32, #tpu.memory_space<vmem>> -> memref<80x128xf32, #tpu.memory_space<vmem>>
      %dma_wait3A_270 = arith.constant 0 : i32
      %dma_wait3A_271 = tpu.memref_slice %arg5[%dma_wait3A_263, %dma_wait3A_264, %dma_wait3A_270] : memref<4x5x80xi32, #tpu.memory_space<vmem>> -> memref<1x1x80xi32, #tpu.memory_space<vmem>>
      %dma_wait3A_272 = tpu.memref_squeeze %dma_wait3A_271 : memref<1x1x80xi32, #tpu.memory_space<vmem>> -> memref<80xi32, #tpu.memory_space<vmem>>
      %dma_wait3A_273 = arith.constant 0 : i32
      %dma_wait3A_274 = arith.constant 0 : i32
      %dma_wait3A_275 = tpu.memref_slice %arg7[%dma_wait3A_273, %dma_wait3A_274] : memref<16x128xf32, #tpu.memory_space<vmem_shared>> -> memref<16x128xf32, #tpu.memory_space<vmem_shared>>
      tpu.wait_indirect_dma semaphore(%arg8 : memref<!tpu.dma_semaphore, #tpu.memory_space<semaphore_mem>>) src(%dma_wait3A_275 : memref<16x128xf32, #tpu.memory_space<vmem_shared>>) dst(%dma_wait3A_269 : memref<80x128xf32, #tpu.memory_space<vmem>>)
      %mul3A_276 = arith.constant 400 : i32
      %mul3A_277 = arith.muli %scan3A_243, %mul3A_276 : i32
      %add3A_278 = arith.addi %mul3A_2, %mul3A_277 : i32
      %add3A_279 = arith.constant 0 : i32
      %add3A_280 = arith.addi %add3A_278, %add3A_279 : i32
      %dma_start3A_281 = arith.constant 0 : i32
      %dma_start3A_282 = arith.constant 0 : i32
      %dma_start3A_283 = tpu.memref_slice %arg6[%rem3A_245, %dma_start3A_281, %dma_start3A_282] : memref<2x400x128xf32, #tpu.memory_space<vmem>> -> memref<1x80x128xf32, #tpu.memory_space<vmem>>
      %dma_start3A_284 = tpu.memref_squeeze %dma_start3A_283 : memref<1x80x128xf32, #tpu.memory_space<vmem>> -> memref<80x128xf32, #tpu.memory_space<vmem>>
      %dma_start3A_285 = arith.constant 0 : i32
      %dma_start3A_286 = tpu.memref_slice %arg4[%add3A_280, %dma_start3A_285] : memref<1600000x128xf32, #tpu.memory_space<hbm>> -> memref<80x128xf32, #tpu.memory_space<hbm>>
      %dma_start3A_287 = arith.constant 0 : i32
      %dma_start3A_288 = tpu.memref_slice %arg4[%add3A_280, %dma_start3A_287] : memref<1600000x128xf32, #tpu.memory_space<hbm>> -> memref<80x128xf32, #tpu.memory_space<hbm>>
      %dma_start3A_289 = arith.constant 0 : i32
      %dma_start3A_290 = arith.constant 0 : i32
      %dma_start3A_291 = tpu.memref_slice %arg6[%rem3A_245, %dma_start3A_289, %dma_start3A_290] : memref<2x400x128xf32, #tpu.memory_space<vmem>> -> memref<1x80x128xf32, #tpu.memory_space<vmem>>
      %dma_start3A_292 = tpu.memref_squeeze %dma_start3A_291 : memref<1x80x128xf32, #tpu.memory_space<vmem>> -> memref<80x128xf32, #tpu.memory_space<vmem>>
      tpu.enqueue_dma source(%dma_start3A_292 : memref<80x128xf32, #tpu.memory_space<vmem>>) target(%dma_start3A_288 : memref<80x128xf32, #tpu.memory_space<hbm>>) target_semaphore(%arg14 : memref<!tpu.dma_semaphore, #tpu.memory_space<semaphore_mem>>)
      %add3A_293 = arith.constant 1 : i32
      %add3A_294 = arith.addi %scan3A_243, %add3A_293 : i32
      %lt3A_295 = arith.constant 125 : i32
      %lt3A_296 = arith.cmpi slt, %add3A_294, %lt3A_295 : i32
      %convert_element_type3A_297 = arith.extui %lt3A_296 : i1 to i32
      %cond3A_298 = arith.constant 0 : i32
      %cond3A_299 = arith.cmpi ne, %convert_element_type3A_297, %cond3A_298 : i32
      scf.if %cond3A_299 {
        %sub3A = arith.constant 1 : i32
        %sub3A_449 = arith.subi %sub3A, %rem3A_245 : i32
        %dma_start3A_450 = arith.constant 0 : i32
        %dma_start3A_451 = arith.constant 0 : i32
        %dma_start3A_452 = arith.constant 0 : i32
        %dma_start3A_453 = tpu.memref_slice %arg6[%sub3A_449, %dma_start3A_451, %dma_start3A_452] : memref<2x400x128xf32, #tpu.memory_space<vmem>> -> memref<1x80x128xf32, #tpu.memory_space<vmem>>
        %dma_start3A_454 = tpu.memref_squeeze %dma_start3A_453 : memref<1x80x128xf32, #tpu.memory_space<vmem>> -> memref<80x128xf32, #tpu.memory_space<vmem>>
        %dma_start3A_455 = arith.constant 0 : i32
        %dma_start3A_456 = tpu.memref_slice %arg5[%rem3A_249, %dma_start3A_450, %dma_start3A_455] : memref<4x5x80xi32, #tpu.memory_space<vmem>> -> memref<1x1x80xi32, #tpu.memory_space<vmem>>
        %dma_start3A_457 = tpu.memref_squeeze %dma_start3A_456 : memref<1x1x80xi32, #tpu.memory_space<vmem>> -> memref<80xi32, #tpu.memory_space<vmem>>
        %dma_start3A_458 = arith.constant 0 : i32
        %dma_start3A_459 = arith.constant 0 : i32
        %dma_start3A_460 = tpu.memref_slice %arg7[%dma_start3A_458, %dma_start3A_459] : memref<16x128xf32, #tpu.memory_space<vmem_shared>> -> memref<16x128xf32, #tpu.memory_space<vmem_shared>>
        tpu.enqueue_indirect_dma source(%dma_start3A_460 : memref<16x128xf32, #tpu.memory_space<vmem_shared>>) target(%dma_start3A_454 : memref<80x128xf32, #tpu.memory_space<vmem>>) offsets(%dma_start3A_457 : memref<80xi32, #tpu.memory_space<vmem>>) semaphore(%arg8 : memref<!tpu.dma_semaphore, #tpu.memory_space<semaphore_mem>>)
      } else {
      }
      %dma_wait3A_300 = arith.constant 0 : i32
      %dma_wait3A_301 = arith.constant 0 : i32
      %dma_wait3A_302 = arith.constant 0 : i32
      %dma_wait3A_303 = arith.constant 80 : i32
      %dma_wait3A_304 = arith.constant 0 : i32
      %dma_wait3A_305 = tpu.memref_slice %arg6[%dma_wait3A_302, %dma_wait3A_303, %dma_wait3A_304] : memref<2x400x128xf32, #tpu.memory_space<vmem>> -> memref<1x80x128xf32, #tpu.memory_space<vmem>>
      %dma_wait3A_306 = tpu.memref_squeeze %dma_wait3A_305 : memref<1x80x128xf32, #tpu.memory_space<vmem>> -> memref<80x128xf32, #tpu.memory_space<vmem>>
      %dma_wait3A_307 = arith.constant 0 : i32
      %dma_wait3A_308 = tpu.memref_slice %arg5[%dma_wait3A_300, %dma_wait3A_301, %dma_wait3A_307] : memref<4x5x80xi32, #tpu.memory_space<vmem>> -> memref<1x1x80xi32, #tpu.memory_space<vmem>>
      %dma_wait3A_309 = tpu.memref_squeeze %dma_wait3A_308 : memref<1x1x80xi32, #tpu.memory_space<vmem>> -> memref<80xi32, #tpu.memory_space<vmem>>
      %dma_wait3A_310 = arith.constant 0 : i32
      %dma_wait3A_311 = arith.constant 0 : i32
      %dma_wait3A_312 = tpu.memref_slice %arg7[%dma_wait3A_310, %dma_wait3A_311] : memref<16x128xf32, #tpu.memory_space<vmem_shared>> -> memref<16x128xf32, #tpu.memory_space<vmem_shared>>
      tpu.wait_indirect_dma semaphore(%arg9 : memref<!tpu.dma_semaphore, #tpu.memory_space<semaphore_mem>>) src(%dma_wait3A_312 : memref<16x128xf32, #tpu.memory_space<vmem_shared>>) dst(%dma_wait3A_306 : memref<80x128xf32, #tpu.memory_space<vmem>>)
      %mul3A_313 = arith.constant 400 : i32
      %mul3A_314 = arith.muli %scan3A_243, %mul3A_313 : i32
      %add3A_315 = arith.addi %mul3A_2, %mul3A_314 : i32
      %add3A_316 = arith.constant 80 : i32
      %add3A_317 = arith.addi %add3A_315, %add3A_316 : i32
      %dma_start3A_318 = arith.constant 80 : i32
      %dma_start3A_319 = arith.constant 0 : i32
      %dma_start3A_320 = tpu.memref_slice %arg6[%rem3A_245, %dma_start3A_318, %dma_start3A_319] : memref<2x400x128xf32, #tpu.memory_space<vmem>> -> memref<1x80x128xf32, #tpu.memory_space<vmem>>
      %dma_start3A_321 = tpu.memref_squeeze %dma_start3A_320 : memref<1x80x128xf32, #tpu.memory_space<vmem>> -> memref<80x128xf32, #tpu.memory_space<vmem>>
      %dma_start3A_322 = arith.constant 0 : i32
      %dma_start3A_323 = tpu.memref_slice %arg4[%add3A_317, %dma_start3A_322] : memref<1600000x128xf32, #tpu.memory_space<hbm>> -> memref<80x128xf32, #tpu.memory_space<hbm>>
      %dma_start3A_324 = arith.constant 0 : i32
      %dma_start3A_325 = tpu.memref_slice %arg4[%add3A_317, %dma_start3A_324] : memref<1600000x128xf32, #tpu.memory_space<hbm>> -> memref<80x128xf32, #tpu.memory_space<hbm>>
      %dma_start3A_326 = arith.constant 80 : i32
      %dma_start3A_327 = arith.constant 0 : i32
      %dma_start3A_328 = tpu.memref_slice %arg6[%rem3A_245, %dma_start3A_326, %dma_start3A_327] : memref<2x400x128xf32, #tpu.memory_space<vmem>> -> memref<1x80x128xf32, #tpu.memory_space<vmem>>
      %dma_start3A_329 = tpu.memref_squeeze %dma_start3A_328 : memref<1x80x128xf32, #tpu.memory_space<vmem>> -> memref<80x128xf32, #tpu.memory_space<vmem>>
      tpu.enqueue_dma source(%dma_start3A_329 : memref<80x128xf32, #tpu.memory_space<vmem>>) target(%dma_start3A_325 : memref<80x128xf32, #tpu.memory_space<hbm>>) target_semaphore(%arg14 : memref<!tpu.dma_semaphore, #tpu.memory_space<semaphore_mem>>)
      %add3A_330 = arith.constant 1 : i32
      %add3A_331 = arith.addi %scan3A_243, %add3A_330 : i32
      %lt3A_332 = arith.constant 125 : i32
      %lt3A_333 = arith.cmpi slt, %add3A_331, %lt3A_332 : i32
      %convert_element_type3A_334 = arith.extui %lt3A_333 : i1 to i32
      %cond3A_335 = arith.constant 0 : i32
      %cond3A_336 = arith.cmpi ne, %convert_element_type3A_334, %cond3A_335 : i32
      scf.if %cond3A_336 {
        %sub3A = arith.constant 1 : i32
        %sub3A_449 = arith.subi %sub3A, %rem3A_245 : i32
        %dma_start3A_450 = arith.constant 1 : i32
        %dma_start3A_451 = arith.constant 80 : i32
        %dma_start3A_452 = arith.constant 0 : i32
        %dma_start3A_453 = tpu.memref_slice %arg6[%sub3A_449, %dma_start3A_451, %dma_start3A_452] : memref<2x400x128xf32, #tpu.memory_space<vmem>> -> memref<1x80x128xf32, #tpu.memory_space<vmem>>
        %dma_start3A_454 = tpu.memref_squeeze %dma_start3A_453 : memref<1x80x128xf32, #tpu.memory_space<vmem>> -> memref<80x128xf32, #tpu.memory_space<vmem>>
        %dma_start3A_455 = arith.constant 0 : i32
        %dma_start3A_456 = tpu.memref_slice %arg5[%rem3A_249, %dma_start3A_450, %dma_start3A_455] : memref<4x5x80xi32, #tpu.memory_space<vmem>> -> memref<1x1x80xi32, #tpu.memory_space<vmem>>
        %dma_start3A_457 = tpu.memref_squeeze %dma_start3A_456 : memref<1x1x80xi32, #tpu.memory_space<vmem>> -> memref<80xi32, #tpu.memory_space<vmem>>
        %dma_start3A_458 = arith.constant 0 : i32
        %dma_start3A_459 = arith.constant 0 : i32
        %dma_start3A_460 = tpu.memref_slice %arg7[%dma_start3A_458, %dma_start3A_459] : memref<16x128xf32, #tpu.memory_space<vmem_shared>> -> memref<16x128xf32, #tpu.memory_space<vmem_shared>>
        tpu.enqueue_indirect_dma source(%dma_start3A_460 : memref<16x128xf32, #tpu.memory_space<vmem_shared>>) target(%dma_start3A_454 : memref<80x128xf32, #tpu.memory_space<vmem>>) offsets(%dma_start3A_457 : memref<80xi32, #tpu.memory_space<vmem>>) semaphore(%arg9 : memref<!tpu.dma_semaphore, #tpu.memory_space<semaphore_mem>>)
      } else {
      }
      %dma_wait3A_337 = arith.constant 0 : i32
      %dma_wait3A_338 = arith.constant 0 : i32
      %dma_wait3A_339 = arith.constant 0 : i32
      %dma_wait3A_340 = arith.constant 160 : i32
      %dma_wait3A_341 = arith.constant 0 : i32
      %dma_wait3A_342 = tpu.memref_slice %arg6[%dma_wait3A_339, %dma_wait3A_340, %dma_wait3A_341] : memref<2x400x128xf32, #tpu.memory_space<vmem>> -> memref<1x80x128xf32, #tpu.memory_space<vmem>>
      %dma_wait3A_343 = tpu.memref_squeeze %dma_wait3A_342 : memref<1x80x128xf32, #tpu.memory_space<vmem>> -> memref<80x128xf32, #tpu.memory_space<vmem>>
      %dma_wait3A_344 = arith.constant 0 : i32
      %dma_wait3A_345 = tpu.memref_slice %arg5[%dma_wait3A_337, %dma_wait3A_338, %dma_wait3A_344] : memref<4x5x80xi32, #tpu.memory_space<vmem>> -> memref<1x1x80xi32, #tpu.memory_space<vmem>>
      %dma_wait3A_346 = tpu.memref_squeeze %dma_wait3A_345 : memref<1x1x80xi32, #tpu.memory_space<vmem>> -> memref<80xi32, #tpu.memory_space<vmem>>
      %dma_wait3A_347 = arith.constant 0 : i32
      %dma_wait3A_348 = arith.constant 0 : i32
      %dma_wait3A_349 = tpu.memref_slice %arg7[%dma_wait3A_347, %dma_wait3A_348] : memref<16x128xf32, #tpu.memory_space<vmem_shared>> -> memref<16x128xf32, #tpu.memory_space<vmem_shared>>
      tpu.wait_indirect_dma semaphore(%arg10 : memref<!tpu.dma_semaphore, #tpu.memory_space<semaphore_mem>>) src(%dma_wait3A_349 : memref<16x128xf32, #tpu.memory_space<vmem_shared>>) dst(%dma_wait3A_343 : memref<80x128xf32, #tpu.memory_space<vmem>>)
      %mul3A_350 = arith.constant 400 : i32
      %mul3A_351 = arith.muli %scan3A_243, %mul3A_350 : i32
      %add3A_352 = arith.addi %mul3A_2, %mul3A_351 : i32
      %add3A_353 = arith.constant 160 : i32
      %add3A_354 = arith.addi %add3A_352, %add3A_353 : i32
      %dma_start3A_355 = arith.constant 160 : i32
      %dma_start3A_356 = arith.constant 0 : i32
      %dma_start3A_357 = tpu.memref_slice %arg6[%rem3A_245, %dma_start3A_355, %dma_start3A_356] : memref<2x400x128xf32, #tpu.memory_space<vmem>> -> memref<1x80x128xf32, #tpu.memory_space<vmem>>
      %dma_start3A_358 = tpu.memref_squeeze %dma_start3A_357 : memref<1x80x128xf32, #tpu.memory_space<vmem>> -> memref<80x128xf32, #tpu.memory_space<vmem>>
      %dma_start3A_359 = arith.constant 0 : i32
      %dma_start3A_360 = tpu.memref_slice %arg4[%add3A_354, %dma_start3A_359] : memref<1600000x128xf32, #tpu.memory_space<hbm>> -> memref<80x128xf32, #tpu.memory_space<hbm>>
      %dma_start3A_361 = arith.constant 0 : i32
      %dma_start3A_362 = tpu.memref_slice %arg4[%add3A_354, %dma_start3A_361] : memref<1600000x128xf32, #tpu.memory_space<hbm>> -> memref<80x128xf32, #tpu.memory_space<hbm>>
      %dma_start3A_363 = arith.constant 160 : i32
      %dma_start3A_364 = arith.constant 0 : i32
      %dma_start3A_365 = tpu.memref_slice %arg6[%rem3A_245, %dma_start3A_363, %dma_start3A_364] : memref<2x400x128xf32, #tpu.memory_space<vmem>> -> memref<1x80x128xf32, #tpu.memory_space<vmem>>
      %dma_start3A_366 = tpu.memref_squeeze %dma_start3A_365 : memref<1x80x128xf32, #tpu.memory_space<vmem>> -> memref<80x128xf32, #tpu.memory_space<vmem>>
      tpu.enqueue_dma source(%dma_start3A_366 : memref<80x128xf32, #tpu.memory_space<vmem>>) target(%dma_start3A_362 : memref<80x128xf32, #tpu.memory_space<hbm>>) target_semaphore(%arg14 : memref<!tpu.dma_semaphore, #tpu.memory_space<semaphore_mem>>)
      %add3A_367 = arith.constant 1 : i32
      %add3A_368 = arith.addi %scan3A_243, %add3A_367 : i32
      %lt3A_369 = arith.constant 125 : i32
      %lt3A_370 = arith.cmpi slt, %add3A_368, %lt3A_369 : i32
      %convert_element_type3A_371 = arith.extui %lt3A_370 : i1 to i32
      %cond3A_372 = arith.constant 0 : i32
      %cond3A_373 = arith.cmpi ne, %convert_element_type3A_371, %cond3A_372 : i32
      scf.if %cond3A_373 {
        %sub3A = arith.constant 1 : i32
        %sub3A_449 = arith.subi %sub3A, %rem3A_245 : i32
        %dma_start3A_450 = arith.constant 2 : i32
        %dma_start3A_451 = arith.constant 160 : i32
        %dma_start3A_452 = arith.constant 0 : i32
        %dma_start3A_453 = tpu.memref_slice %arg6[%sub3A_449, %dma_start3A_451, %dma_start3A_452] : memref<2x400x128xf32, #tpu.memory_space<vmem>> -> memref<1x80x128xf32, #tpu.memory_space<vmem>>
        %dma_start3A_454 = tpu.memref_squeeze %dma_start3A_453 : memref<1x80x128xf32, #tpu.memory_space<vmem>> -> memref<80x128xf32, #tpu.memory_space<vmem>>
        %dma_start3A_455 = arith.constant 0 : i32
        %dma_start3A_456 = tpu.memref_slice %arg5[%rem3A_249, %dma_start3A_450, %dma_start3A_455] : memref<4x5x80xi32, #tpu.memory_space<vmem>> -> memref<1x1x80xi32, #tpu.memory_space<vmem>>
        %dma_start3A_457 = tpu.memref_squeeze %dma_start3A_456 : memref<1x1x80xi32, #tpu.memory_space<vmem>> -> memref<80xi32, #tpu.memory_space<vmem>>
        %dma_start3A_458 = arith.constant 0 : i32
        %dma_start3A_459 = arith.constant 0 : i32
        %dma_start3A_460 = tpu.memref_slice %arg7[%dma_start3A_458, %dma_start3A_459] : memref<16x128xf32, #tpu.memory_space<vmem_shared>> -> memref<16x128xf32, #tpu.memory_space<vmem_shared>>
        tpu.enqueue_indirect_dma source(%dma_start3A_460 : memref<16x128xf32, #tpu.memory_space<vmem_shared>>) target(%dma_start3A_454 : memref<80x128xf32, #tpu.memory_space<vmem>>) offsets(%dma_start3A_457 : memref<80xi32, #tpu.memory_space<vmem>>) semaphore(%arg10 : memref<!tpu.dma_semaphore, #tpu.memory_space<semaphore_mem>>)
      } else {
      }
      %dma_wait3A_374 = arith.constant 0 : i32
      %dma_wait3A_375 = arith.constant 0 : i32
      %dma_wait3A_376 = arith.constant 0 : i32
      %dma_wait3A_377 = arith.constant 240 : i32
      %dma_wait3A_378 = arith.constant 0 : i32
      %dma_wait3A_379 = tpu.memref_slice %arg6[%dma_wait3A_376, %dma_wait3A_377, %dma_wait3A_378] : memref<2x400x128xf32, #tpu.memory_space<vmem>> -> memref<1x80x128xf32, #tpu.memory_space<vmem>>
      %dma_wait3A_380 = tpu.memref_squeeze %dma_wait3A_379 : memref<1x80x128xf32, #tpu.memory_space<vmem>> -> memref<80x128xf32, #tpu.memory_space<vmem>>
      %dma_wait3A_381 = arith.constant 0 : i32
      %dma_wait3A_382 = tpu.memref_slice %arg5[%dma_wait3A_374, %dma_wait3A_375, %dma_wait3A_381] : memref<4x5x80xi32, #tpu.memory_space<vmem>> -> memref<1x1x80xi32, #tpu.memory_space<vmem>>
      %dma_wait3A_383 = tpu.memref_squeeze %dma_wait3A_382 : memref<1x1x80xi32, #tpu.memory_space<vmem>> -> memref<80xi32, #tpu.memory_space<vmem>>
      %dma_wait3A_384 = arith.constant 0 : i32
      %dma_wait3A_385 = arith.constant 0 : i32
      %dma_wait3A_386 = tpu.memref_slice %arg7[%dma_wait3A_384, %dma_wait3A_385] : memref<16x128xf32, #tpu.memory_space<vmem_shared>> -> memref<16x128xf32, #tpu.memory_space<vmem_shared>>
      tpu.wait_indirect_dma semaphore(%arg11 : memref<!tpu.dma_semaphore, #tpu.memory_space<semaphore_mem>>) src(%dma_wait3A_386 : memref<16x128xf32, #tpu.memory_space<vmem_shared>>) dst(%dma_wait3A_380 : memref<80x128xf32, #tpu.memory_space<vmem>>)
      %mul3A_387 = arith.constant 400 : i32
      %mul3A_388 = arith.muli %scan3A_243, %mul3A_387 : i32
      %add3A_389 = arith.addi %mul3A_2, %mul3A_388 : i32
      %add3A_390 = arith.constant 240 : i32
      %add3A_391 = arith.addi %add3A_389, %add3A_390 : i32
      %dma_start3A_392 = arith.constant 240 : i32
      %dma_start3A_393 = arith.constant 0 : i32
      %dma_start3A_394 = tpu.memref_slice %arg6[%rem3A_245, %dma_start3A_392, %dma_start3A_393] : memref<2x400x128xf32, #tpu.memory_space<vmem>> -> memref<1x80x128xf32, #tpu.memory_space<vmem>>
      %dma_start3A_395 = tpu.memref_squeeze %dma_start3A_394 : memref<1x80x128xf32, #tpu.memory_space<vmem>> -> memref<80x128xf32, #tpu.memory_space<vmem>>
      %dma_start3A_396 = arith.constant 0 : i32
      %dma_start3A_397 = tpu.memref_slice %arg4[%add3A_391, %dma_start3A_396] : memref<1600000x128xf32, #tpu.memory_space<hbm>> -> memref<80x128xf32, #tpu.memory_space<hbm>>
      %dma_start3A_398 = arith.constant 0 : i32
      %dma_start3A_399 = tpu.memref_slice %arg4[%add3A_391, %dma_start3A_398] : memref<1600000x128xf32, #tpu.memory_space<hbm>> -> memref<80x128xf32, #tpu.memory_space<hbm>>
      %dma_start3A_400 = arith.constant 240 : i32
      %dma_start3A_401 = arith.constant 0 : i32
      %dma_start3A_402 = tpu.memref_slice %arg6[%rem3A_245, %dma_start3A_400, %dma_start3A_401] : memref<2x400x128xf32, #tpu.memory_space<vmem>> -> memref<1x80x128xf32, #tpu.memory_space<vmem>>
      %dma_start3A_403 = tpu.memref_squeeze %dma_start3A_402 : memref<1x80x128xf32, #tpu.memory_space<vmem>> -> memref<80x128xf32, #tpu.memory_space<vmem>>
      tpu.enqueue_dma source(%dma_start3A_403 : memref<80x128xf32, #tpu.memory_space<vmem>>) target(%dma_start3A_399 : memref<80x128xf32, #tpu.memory_space<hbm>>) target_semaphore(%arg14 : memref<!tpu.dma_semaphore, #tpu.memory_space<semaphore_mem>>)
      %add3A_404 = arith.constant 1 : i32
      %add3A_405 = arith.addi %scan3A_243, %add3A_404 : i32
      %lt3A_406 = arith.constant 125 : i32
      %lt3A_407 = arith.cmpi slt, %add3A_405, %lt3A_406 : i32
      %convert_element_type3A_408 = arith.extui %lt3A_407 : i1 to i32
      %cond3A_409 = arith.constant 0 : i32
      %cond3A_410 = arith.cmpi ne, %convert_element_type3A_408, %cond3A_409 : i32
      scf.if %cond3A_410 {
        %sub3A = arith.constant 1 : i32
        %sub3A_449 = arith.subi %sub3A, %rem3A_245 : i32
        %dma_start3A_450 = arith.constant 3 : i32
        %dma_start3A_451 = arith.constant 240 : i32
        %dma_start3A_452 = arith.constant 0 : i32
        %dma_start3A_453 = tpu.memref_slice %arg6[%sub3A_449, %dma_start3A_451, %dma_start3A_452] : memref<2x400x128xf32, #tpu.memory_space<vmem>> -> memref<1x80x128xf32, #tpu.memory_space<vmem>>
        %dma_start3A_454 = tpu.memref_squeeze %dma_start3A_453 : memref<1x80x128xf32, #tpu.memory_space<vmem>> -> memref<80x128xf32, #tpu.memory_space<vmem>>
        %dma_start3A_455 = arith.constant 0 : i32
        %dma_start3A_456 = tpu.memref_slice %arg5[%rem3A_249, %dma_start3A_450, %dma_start3A_455] : memref<4x5x80xi32, #tpu.memory_space<vmem>> -> memref<1x1x80xi32, #tpu.memory_space<vmem>>
        %dma_start3A_457 = tpu.memref_squeeze %dma_start3A_456 : memref<1x1x80xi32, #tpu.memory_space<vmem>> -> memref<80xi32, #tpu.memory_space<vmem>>
        %dma_start3A_458 = arith.constant 0 : i32
        %dma_start3A_459 = arith.constant 0 : i32
        %dma_start3A_460 = tpu.memref_slice %arg7[%dma_start3A_458, %dma_start3A_459] : memref<16x128xf32, #tpu.memory_space<vmem_shared>> -> memref<16x128xf32, #tpu.memory_space<vmem_shared>>
        tpu.enqueue_indirect_dma source(%dma_start3A_460 : memref<16x128xf32, #tpu.memory_space<vmem_shared>>) target(%dma_start3A_454 : memref<80x128xf32, #tpu.memory_space<vmem>>) offsets(%dma_start3A_457 : memref<80xi32, #tpu.memory_space<vmem>>) semaphore(%arg11 : memref<!tpu.dma_semaphore, #tpu.memory_space<semaphore_mem>>)
      } else {
      }
      %dma_wait3A_411 = arith.constant 0 : i32
      %dma_wait3A_412 = arith.constant 0 : i32
      %dma_wait3A_413 = arith.constant 0 : i32
      %dma_wait3A_414 = arith.constant 320 : i32
      %dma_wait3A_415 = arith.constant 0 : i32
      %dma_wait3A_416 = tpu.memref_slice %arg6[%dma_wait3A_413, %dma_wait3A_414, %dma_wait3A_415] : memref<2x400x128xf32, #tpu.memory_space<vmem>> -> memref<1x80x128xf32, #tpu.memory_space<vmem>>
      %dma_wait3A_417 = tpu.memref_squeeze %dma_wait3A_416 : memref<1x80x128xf32, #tpu.memory_space<vmem>> -> memref<80x128xf32, #tpu.memory_space<vmem>>
      %dma_wait3A_418 = arith.constant 0 : i32
      %dma_wait3A_419 = tpu.memref_slice %arg5[%dma_wait3A_411, %dma_wait3A_412, %dma_wait3A_418] : memref<4x5x80xi32, #tpu.memory_space<vmem>> -> memref<1x1x80xi32, #tpu.memory_space<vmem>>
      %dma_wait3A_420 = tpu.memref_squeeze %dma_wait3A_419 : memref<1x1x80xi32, #tpu.memory_space<vmem>> -> memref<80xi32, #tpu.memory_space<vmem>>
      %dma_wait3A_421 = arith.constant 0 : i32
      %dma_wait3A_422 = arith.constant 0 : i32
      %dma_wait3A_423 = tpu.memref_slice %arg7[%dma_wait3A_421, %dma_wait3A_422] : memref<16x128xf32, #tpu.memory_space<vmem_shared>> -> memref<16x128xf32, #tpu.memory_space<vmem_shared>>
      tpu.wait_indirect_dma semaphore(%arg12 : memref<!tpu.dma_semaphore, #tpu.memory_space<semaphore_mem>>) src(%dma_wait3A_423 : memref<16x128xf32, #tpu.memory_space<vmem_shared>>) dst(%dma_wait3A_417 : memref<80x128xf32, #tpu.memory_space<vmem>>)
      %mul3A_424 = arith.constant 400 : i32
      %mul3A_425 = arith.muli %scan3A_243, %mul3A_424 : i32
      %add3A_426 = arith.addi %mul3A_2, %mul3A_425 : i32
      %add3A_427 = arith.constant 320 : i32
      %add3A_428 = arith.addi %add3A_426, %add3A_427 : i32
      %dma_start3A_429 = arith.constant 320 : i32
      %dma_start3A_430 = arith.constant 0 : i32
      %dma_start3A_431 = tpu.memref_slice %arg6[%rem3A_245, %dma_start3A_429, %dma_start3A_430] : memref<2x400x128xf32, #tpu.memory_space<vmem>> -> memref<1x80x128xf32, #tpu.memory_space<vmem>>
      %dma_start3A_432 = tpu.memref_squeeze %dma_start3A_431 : memref<1x80x128xf32, #tpu.memory_space<vmem>> -> memref<80x128xf32, #tpu.memory_space<vmem>>
      %dma_start3A_433 = arith.constant 0 : i32
      %dma_start3A_434 = tpu.memref_slice %arg4[%add3A_428, %dma_start3A_433] : memref<1600000x128xf32, #tpu.memory_space<hbm>> -> memref<80x128xf32, #tpu.memory_space<hbm>>
      %dma_start3A_435 = arith.constant 0 : i32
      %dma_start3A_436 = tpu.memref_slice %arg4[%add3A_428, %dma_start3A_435] : memref<1600000x128xf32, #tpu.memory_space<hbm>> -> memref<80x128xf32, #tpu.memory_space<hbm>>
      %dma_start3A_437 = arith.constant 320 : i32
      %dma_start3A_438 = arith.constant 0 : i32
      %dma_start3A_439 = tpu.memref_slice %arg6[%rem3A_245, %dma_start3A_437, %dma_start3A_438] : memref<2x400x128xf32, #tpu.memory_space<vmem>> -> memref<1x80x128xf32, #tpu.memory_space<vmem>>
      %dma_start3A_440 = tpu.memref_squeeze %dma_start3A_439 : memref<1x80x128xf32, #tpu.memory_space<vmem>> -> memref<80x128xf32, #tpu.memory_space<vmem>>
      tpu.enqueue_dma source(%dma_start3A_440 : memref<80x128xf32, #tpu.memory_space<vmem>>) target(%dma_start3A_436 : memref<80x128xf32, #tpu.memory_space<hbm>>) target_semaphore(%arg14 : memref<!tpu.dma_semaphore, #tpu.memory_space<semaphore_mem>>)
      %add3A_441 = arith.constant 1 : i32
      %add3A_442 = arith.addi %scan3A_243, %add3A_441 : i32
      %lt3A_443 = arith.constant 125 : i32
      %lt3A_444 = arith.cmpi slt, %add3A_442, %lt3A_443 : i32
      %convert_element_type3A_445 = arith.extui %lt3A_444 : i1 to i32
      %cond3A_446 = arith.constant 0 : i32
      %cond3A_447 = arith.cmpi ne, %convert_element_type3A_445, %cond3A_446 : i32
      scf.if %cond3A_447 {
        %sub3A = arith.constant 1 : i32
        %sub3A_449 = arith.subi %sub3A, %rem3A_245 : i32
        %dma_start3A_450 = arith.constant 4 : i32
        %dma_start3A_451 = arith.constant 320 : i32
        %dma_start3A_452 = arith.constant 0 : i32
        %dma_start3A_453 = tpu.memref_slice %arg6[%sub3A_449, %dma_start3A_451, %dma_start3A_452] : memref<2x400x128xf32, #tpu.memory_space<vmem>> -> memref<1x80x128xf32, #tpu.memory_space<vmem>>
        %dma_start3A_454 = tpu.memref_squeeze %dma_start3A_453 : memref<1x80x128xf32, #tpu.memory_space<vmem>> -> memref<80x128xf32, #tpu.memory_space<vmem>>
        %dma_start3A_455 = arith.constant 0 : i32
        %dma_start3A_456 = tpu.memref_slice %arg5[%rem3A_249, %dma_start3A_450, %dma_start3A_455] : memref<4x5x80xi32, #tpu.memory_space<vmem>> -> memref<1x1x80xi32, #tpu.memory_space<vmem>>
        %dma_start3A_457 = tpu.memref_squeeze %dma_start3A_456 : memref<1x1x80xi32, #tpu.memory_space<vmem>> -> memref<80xi32, #tpu.memory_space<vmem>>
        %dma_start3A_458 = arith.constant 0 : i32
        %dma_start3A_459 = arith.constant 0 : i32
        %dma_start3A_460 = tpu.memref_slice %arg7[%dma_start3A_458, %dma_start3A_459] : memref<16x128xf32, #tpu.memory_space<vmem_shared>> -> memref<16x128xf32, #tpu.memory_space<vmem_shared>>
        tpu.enqueue_indirect_dma source(%dma_start3A_460 : memref<16x128xf32, #tpu.memory_space<vmem_shared>>) target(%dma_start3A_454 : memref<80x128xf32, #tpu.memory_space<vmem>>) offsets(%dma_start3A_457 : memref<80xi32, #tpu.memory_space<vmem>>) semaphore(%arg12 : memref<!tpu.dma_semaphore, #tpu.memory_space<semaphore_mem>>)
      } else {
      }
      %scan3A_448 = arith.constant 0 : i32
      scf.yield %scan3A_448 : i32
    }
    %scan3A_93 = arith.constant 125 : i32
    %dma_wait3A = arith.constant 0 : i32
    %dma_wait3A_94 = arith.constant 0 : i32
    %dma_wait3A_95 = arith.constant 0 : i32
    %dma_wait3A_96 = tpu.memref_slice %arg6[%dma_wait3A, %dma_wait3A_94, %dma_wait3A_95] : memref<2x400x128xf32, #tpu.memory_space<vmem>> -> memref<1x80x128xf32, #tpu.memory_space<vmem>>
    %dma_wait3A_97 = tpu.memref_squeeze %dma_wait3A_96 : memref<1x80x128xf32, #tpu.memory_space<vmem>> -> memref<80x128xf32, #tpu.memory_space<vmem>>
    %dma_wait3A_98 = arith.constant 0 : i32
    %dma_wait3A_99 = arith.constant 0 : i32
    %dma_wait3A_100 = tpu.memref_slice %arg4[%dma_wait3A_98, %dma_wait3A_99] : memref<1600000x128xf32, #tpu.memory_space<hbm>> -> memref<80x128xf32, #tpu.memory_space<hbm>>
    %dma_wait3A_101 = arith.constant 0 : i32
    %dma_wait3A_102 = arith.constant 0 : i32
    %dma_wait3A_103 = tpu.memref_slice %arg4[%dma_wait3A_101, %dma_wait3A_102] : memref<1600000x128xf32, #tpu.memory_space<hbm>> -> memref<80x128xf32, #tpu.memory_space<hbm>>
    %dma_wait3A_104 = arith.constant 0 : i32
    %dma_wait3A_105 = arith.constant 0 : i32
    %dma_wait3A_106 = tpu.memref_slice %arg6[%dma_wait3A, %dma_wait3A_104, %dma_wait3A_105] : memref<2x400x128xf32, #tpu.memory_space<vmem>> -> memref<1x80x128xf32, #tpu.memory_space<vmem>>
    %dma_wait3A_107 = tpu.memref_squeeze %dma_wait3A_106 : memref<1x80x128xf32, #tpu.memory_space<vmem>> -> memref<80x128xf32, #tpu.memory_space<vmem>>
    tpu.wait_dma2 semaphore(%arg14 : memref<!tpu.dma_semaphore, #tpu.memory_space<semaphore_mem>>) src(%dma_wait3A_107 : memref<80x128xf32, #tpu.memory_space<vmem>>) dst(%dma_wait3A_103 : memref<80x128xf32, #tpu.memory_space<hbm>>)
    %dma_wait3A_108 = arith.constant 0 : i32
    %dma_wait3A_109 = arith.constant 0 : i32
    %dma_wait3A_110 = arith.constant 0 : i32
    %dma_wait3A_111 = tpu.memref_slice %arg6[%dma_wait3A_108, %dma_wait3A_109, %dma_wait3A_110] : memref<2x400x128xf32, #tpu.memory_space<vmem>> -> memref<1x80x128xf32, #tpu.memory_space<vmem>>
    %dma_wait3A_112 = tpu.memref_squeeze %dma_wait3A_111 : memref<1x80x128xf32, #tpu.memory_space<vmem>> -> memref<80x128xf32, #tpu.memory_space<vmem>>
    %dma_wait3A_113 = arith.constant 0 : i32
    %dma_wait3A_114 = arith.constant 0 : i32
    %dma_wait3A_115 = tpu.memref_slice %arg4[%dma_wait3A_113, %dma_wait3A_114] : memref<1600000x128xf32, #tpu.memory_space<hbm>> -> memref<80x128xf32, #tpu.memory_space<hbm>>
    %dma_wait3A_116 = arith.constant 0 : i32
    %dma_wait3A_117 = arith.constant 0 : i32
    %dma_wait3A_118 = tpu.memref_slice %arg4[%dma_wait3A_116, %dma_wait3A_117] : memref<1600000x128xf32, #tpu.memory_space<hbm>> -> memref<80x128xf32, #tpu.memory_space<hbm>>
    %dma_wait3A_119 = arith.constant 0 : i32
    %dma_wait3A_120 = arith.constant 0 : i32
    %dma_wait3A_121 = tpu.memref_slice %arg6[%dma_wait3A_108, %dma_wait3A_119, %dma_wait3A_120] : memref<2x400x128xf32, #tpu.memory_space<vmem>> -> memref<1x80x128xf32, #tpu.memory_space<vmem>>
    %dma_wait3A_122 = tpu.memref_squeeze %dma_wait3A_121 : memref<1x80x128xf32, #tpu.memory_space<vmem>> -> memref<80x128xf32, #tpu.memory_space<vmem>>
    tpu.wait_dma2 semaphore(%arg14 : memref<!tpu.dma_semaphore, #tpu.memory_space<semaphore_mem>>) src(%dma_wait3A_122 : memref<80x128xf32, #tpu.memory_space<vmem>>) dst(%dma_wait3A_118 : memref<80x128xf32, #tpu.memory_space<hbm>>)
    %dma_wait3A_123 = arith.constant 0 : i32
    %dma_wait3A_124 = arith.constant 0 : i32
    %dma_wait3A_125 = arith.constant 0 : i32
    %dma_wait3A_126 = tpu.memref_slice %arg6[%dma_wait3A_123, %dma_wait3A_124, %dma_wait3A_125] : memref<2x400x128xf32, #tpu.memory_space<vmem>> -> memref<1x80x128xf32, #tpu.memory_space<vmem>>
    %dma_wait3A_127 = tpu.memref_squeeze %dma_wait3A_126 : memref<1x80x128xf32, #tpu.memory_space<vmem>> -> memref<80x128xf32, #tpu.memory_space<vmem>>
    %dma_wait3A_128 = arith.constant 0 : i32
    %dma_wait3A_129 = arith.constant 0 : i32
    %dma_wait3A_130 = tpu.memref_slice %arg4[%dma_wait3A_128, %dma_wait3A_129] : memref<1600000x128xf32, #tpu.memory_space<hbm>> -> memref<80x128xf32, #tpu.memory_space<hbm>>
    %dma_wait3A_131 = arith.constant 0 : i32
    %dma_wait3A_132 = arith.constant 0 : i32
    %dma_wait3A_133 = tpu.memref_slice %arg4[%dma_wait3A_131, %dma_wait3A_132] : memref<1600000x128xf32, #tpu.memory_space<hbm>> -> memref<80x128xf32, #tpu.memory_space<hbm>>
    %dma_wait3A_134 = arith.constant 0 : i32
    %dma_wait3A_135 = arith.constant 0 : i32
    %dma_wait3A_136 = tpu.memref_slice %arg6[%dma_wait3A_123, %dma_wait3A_134, %dma_wait3A_135] : memref<2x400x128xf32, #tpu.memory_space<vmem>> -> memref<1x80x128xf32, #tpu.memory_space<vmem>>
    %dma_wait3A_137 = tpu.memref_squeeze %dma_wait3A_136 : memref<1x80x128xf32, #tpu.memory_space<vmem>> -> memref<80x128xf32, #tpu.memory_space<vmem>>
    tpu.wait_dma2 semaphore(%arg14 : memref<!tpu.dma_semaphore, #tpu.memory_space<semaphore_mem>>) src(%dma_wait3A_137 : memref<80x128xf32, #tpu.memory_space<vmem>>) dst(%dma_wait3A_133 : memref<80x128xf32, #tpu.memory_space<hbm>>)
    %dma_wait3A_138 = arith.constant 0 : i32
    %dma_wait3A_139 = arith.constant 0 : i32
    %dma_wait3A_140 = arith.constant 0 : i32
    %dma_wait3A_141 = tpu.memref_slice %arg6[%dma_wait3A_138, %dma_wait3A_139, %dma_wait3A_140] : memref<2x400x128xf32, #tpu.memory_space<vmem>> -> memref<1x80x128xf32, #tpu.memory_space<vmem>>
    %dma_wait3A_142 = tpu.memref_squeeze %dma_wait3A_141 : memref<1x80x128xf32, #tpu.memory_space<vmem>> -> memref<80x128xf32, #tpu.memory_space<vmem>>
    %dma_wait3A_143 = arith.constant 0 : i32
    %dma_wait3A_144 = arith.constant 0 : i32
    %dma_wait3A_145 = tpu.memref_slice %arg4[%dma_wait3A_143, %dma_wait3A_144] : memref<1600000x128xf32, #tpu.memory_space<hbm>> -> memref<80x128xf32, #tpu.memory_space<hbm>>
    %dma_wait3A_146 = arith.constant 0 : i32
    %dma_wait3A_147 = arith.constant 0 : i32
    %dma_wait3A_148 = tpu.memref_slice %arg4[%dma_wait3A_146, %dma_wait3A_147] : memref<1600000x128xf32, #tpu.memory_space<hbm>> -> memref<80x128xf32, #tpu.memory_space<hbm>>
    %dma_wait3A_149 = arith.constant 0 : i32
    %dma_wait3A_150 = arith.constant 0 : i32
    %dma_wait3A_151 = tpu.memref_slice %arg6[%dma_wait3A_138, %dma_wait3A_149, %dma_wait3A_150] : memref<2x400x128xf32, #tpu.memory_space<vmem>> -> memref<1x80x128xf32, #tpu.memory_space<vmem>>
    %dma_wait3A_152 = tpu.memref_squeeze %dma_wait3A_151 : memref<1x80x128xf32, #tpu.memory_space<vmem>> -> memref<80x128xf32, #tpu.memory_space<vmem>>
    tpu.wait_dma2 semaphore(%arg14 : memref<!tpu.dma_semaphore, #tpu.memory_space<semaphore_mem>>) src(%dma_wait3A_152 : memref<80x128xf32, #tpu.memory_space<vmem>>) dst(%dma_wait3A_148 : memref<80x128xf32, #tpu.memory_space<hbm>>)
    %dma_wait3A_153 = arith.constant 0 : i32
    %dma_wait3A_154 = arith.constant 0 : i32
    %dma_wait3A_155 = arith.constant 0 : i32
    %dma_wait3A_156 = tpu.memref_slice %arg6[%dma_wait3A_153, %dma_wait3A_154, %dma_wait3A_155] : memref<2x400x128xf32, #tpu.memory_space<vmem>> -> memref<1x80x128xf32, #tpu.memory_space<vmem>>
    %dma_wait3A_157 = tpu.memref_squeeze %dma_wait3A_156 : memref<1x80x128xf32, #tpu.memory_space<vmem>> -> memref<80x128xf32, #tpu.memory_space<vmem>>
    %dma_wait3A_158 = arith.constant 0 : i32
    %dma_wait3A_159 = arith.constant 0 : i32
    %dma_wait3A_160 = tpu.memref_slice %arg4[%dma_wait3A_158, %dma_wait3A_159] : memref<1600000x128xf32, #tpu.memory_space<hbm>> -> memref<80x128xf32, #tpu.memory_space<hbm>>
    %dma_wait3A_161 = arith.constant 0 : i32
    %dma_wait3A_162 = arith.constant 0 : i32
    %dma_wait3A_163 = tpu.memref_slice %arg4[%dma_wait3A_161, %dma_wait3A_162] : memref<1600000x128xf32, #tpu.memory_space<hbm>> -> memref<80x128xf32, #tpu.memory_space<hbm>>
    %dma_wait3A_164 = arith.constant 0 : i32
    %dma_wait3A_165 = arith.constant 0 : i32
    %dma_wait3A_166 = tpu.memref_slice %arg6[%dma_wait3A_153, %dma_wait3A_164, %dma_wait3A_165] : memref<2x400x128xf32, #tpu.memory_space<vmem>> -> memref<1x80x128xf32, #tpu.memory_space<vmem>>
    %dma_wait3A_167 = tpu.memref_squeeze %dma_wait3A_166 : memref<1x80x128xf32, #tpu.memory_space<vmem>> -> memref<80x128xf32, #tpu.memory_space<vmem>>
    tpu.wait_dma2 semaphore(%arg14 : memref<!tpu.dma_semaphore, #tpu.memory_space<semaphore_mem>>) src(%dma_wait3A_167 : memref<80x128xf32, #tpu.memory_space<vmem>>) dst(%dma_wait3A_163 : memref<80x128xf32, #tpu.memory_space<hbm>>)
    %dma_wait3A_168 = arith.constant 0 : i32
    %dma_wait3A_169 = arith.constant 0 : i32
    %dma_wait3A_170 = arith.constant 0 : i32
    %dma_wait3A_171 = tpu.memref_slice %arg6[%dma_wait3A_168, %dma_wait3A_169, %dma_wait3A_170] : memref<2x400x128xf32, #tpu.memory_space<vmem>> -> memref<1x80x128xf32, #tpu.memory_space<vmem>>
    %dma_wait3A_172 = tpu.memref_squeeze %dma_wait3A_171 : memref<1x80x128xf32, #tpu.memory_space<vmem>> -> memref<80x128xf32, #tpu.memory_space<vmem>>
    %dma_wait3A_173 = arith.constant 0 : i32
    %dma_wait3A_174 = arith.constant 0 : i32
    %dma_wait3A_175 = tpu.memref_slice %arg4[%dma_wait3A_173, %dma_wait3A_174] : memref<1600000x128xf32, #tpu.memory_space<hbm>> -> memref<80x128xf32, #tpu.memory_space<hbm>>
    %dma_wait3A_176 = arith.constant 0 : i32
    %dma_wait3A_177 = arith.constant 0 : i32
    %dma_wait3A_178 = tpu.memref_slice %arg4[%dma_wait3A_176, %dma_wait3A_177] : memref<1600000x128xf32, #tpu.memory_space<hbm>> -> memref<80x128xf32, #tpu.memory_space<hbm>>
    %dma_wait3A_179 = arith.constant 0 : i32
    %dma_wait3A_180 = arith.constant 0 : i32
    %dma_wait3A_181 = tpu.memref_slice %arg6[%dma_wait3A_168, %dma_wait3A_179, %dma_wait3A_180] : memref<2x400x128xf32, #tpu.memory_space<vmem>> -> memref<1x80x128xf32, #tpu.memory_space<vmem>>
    %dma_wait3A_182 = tpu.memref_squeeze %dma_wait3A_181 : memref<1x80x128xf32, #tpu.memory_space<vmem>> -> memref<80x128xf32, #tpu.memory_space<vmem>>
    tpu.wait_dma2 semaphore(%arg14 : memref<!tpu.dma_semaphore, #tpu.memory_space<semaphore_mem>>) src(%dma_wait3A_182 : memref<80x128xf32, #tpu.memory_space<vmem>>) dst(%dma_wait3A_178 : memref<80x128xf32, #tpu.memory_space<hbm>>)
    %dma_wait3A_183 = arith.constant 0 : i32
    %dma_wait3A_184 = arith.constant 0 : i32
    %dma_wait3A_185 = arith.constant 0 : i32
    %dma_wait3A_186 = tpu.memref_slice %arg6[%dma_wait3A_183, %dma_wait3A_184, %dma_wait3A_185] : memref<2x400x128xf32, #tpu.memory_space<vmem>> -> memref<1x80x128xf32, #tpu.memory_space<vmem>>
    %dma_wait3A_187 = tpu.memref_squeeze %dma_wait3A_186 : memref<1x80x128xf32, #tpu.memory_space<vmem>> -> memref<80x128xf32, #tpu.memory_space<vmem>>
    %dma_wait3A_188 = arith.constant 0 : i32
    %dma_wait3A_189 = arith.constant 0 : i32
    %dma_wait3A_190 = tpu.memref_slice %arg4[%dma_wait3A_188, %dma_wait3A_189] : memref<1600000x128xf32, #tpu.memory_space<hbm>> -> memref<80x128xf32, #tpu.memory_space<hbm>>
    %dma_wait3A_191 = arith.constant 0 : i32
    %dma_wait3A_192 = arith.constant 0 : i32
    %dma_wait3A_193 = tpu.memref_slice %arg4[%dma_wait3A_191, %dma_wait3A_192] : memref<1600000x128xf32, #tpu.memory_space<hbm>> -> memref<80x128xf32, #tpu.memory_space<hbm>>
    %dma_wait3A_194 = arith.constant 0 : i32
    %dma_wait3A_195 = arith.constant 0 : i32
    %dma_wait3A_196 = tpu.memref_slice %arg6[%dma_wait3A_183, %dma_wait3A_194, %dma_wait3A_195] : memref<2x400x128xf32, #tpu.memory_space<vmem>> -> memref<1x80x128xf32, #tpu.memory_space<vmem>>
    %dma_wait3A_197 = tpu.memref_squeeze %dma_wait3A_196 : memref<1x80x128xf32, #tpu.memory_space<vmem>> -> memref<80x128xf32, #tpu.memory_space<vmem>>
    tpu.wait_dma2 semaphore(%arg14 : memref<!tpu.dma_semaphore, #tpu.memory_space<semaphore_mem>>) src(%dma_wait3A_197 : memref<80x128xf32, #tpu.memory_space<vmem>>) dst(%dma_wait3A_193 : memref<80x128xf32, #tpu.memory_space<hbm>>)
    %dma_wait3A_198 = arith.constant 0 : i32
    %dma_wait3A_199 = arith.constant 0 : i32
    %dma_wait3A_200 = arith.constant 0 : i32
    %dma_wait3A_201 = tpu.memref_slice %arg6[%dma_wait3A_198, %dma_wait3A_199, %dma_wait3A_200] : memref<2x400x128xf32, #tpu.memory_space<vmem>> -> memref<1x80x128xf32, #tpu.memory_space<vmem>>
    %dma_wait3A_202 = tpu.memref_squeeze %dma_wait3A_201 : memref<1x80x128xf32, #tpu.memory_space<vmem>> -> memref<80x128xf32, #tpu.memory_space<vmem>>
    %dma_wait3A_203 = arith.constant 0 : i32
    %dma_wait3A_204 = arith.constant 0 : i32
    %dma_wait3A_205 = tpu.memref_slice %arg4[%dma_wait3A_203, %dma_wait3A_204] : memref<1600000x128xf32, #tpu.memory_space<hbm>> -> memref<80x128xf32, #tpu.memory_space<hbm>>
    %dma_wait3A_206 = arith.constant 0 : i32
    %dma_wait3A_207 = arith.constant 0 : i32
    %dma_wait3A_208 = tpu.memref_slice %arg4[%dma_wait3A_206, %dma_wait3A_207] : memref<1600000x128xf32, #tpu.memory_space<hbm>> -> memref<80x128xf32, #tpu.memory_space<hbm>>
    %dma_wait3A_209 = arith.constant 0 : i32
    %dma_wait3A_210 = arith.constant 0 : i32
    %dma_wait3A_211 = tpu.memref_slice %arg6[%dma_wait3A_198, %dma_wait3A_209, %dma_wait3A_210] : memref<2x400x128xf32, #tpu.memory_space<vmem>> -> memref<1x80x128xf32, #tpu.memory_space<vmem>>
    %dma_wait3A_212 = tpu.memref_squeeze %dma_wait3A_211 : memref<1x80x128xf32, #tpu.memory_space<vmem>> -> memref<80x128xf32, #tpu.memory_space<vmem>>
    tpu.wait_dma2 semaphore(%arg14 : memref<!tpu.dma_semaphore, #tpu.memory_space<semaphore_mem>>) src(%dma_wait3A_212 : memref<80x128xf32, #tpu.memory_space<vmem>>) dst(%dma_wait3A_208 : memref<80x128xf32, #tpu.memory_space<hbm>>)
    %dma_wait3A_213 = arith.constant 0 : i32
    %dma_wait3A_214 = arith.constant 0 : i32
    %dma_wait3A_215 = arith.constant 0 : i32
    %dma_wait3A_216 = tpu.memref_slice %arg6[%dma_wait3A_213, %dma_wait3A_214, %dma_wait3A_215] : memref<2x400x128xf32, #tpu.memory_space<vmem>> -> memref<1x80x128xf32, #tpu.memory_space<vmem>>
    %dma_wait3A_217 = tpu.memref_squeeze %dma_wait3A_216 : memref<1x80x128xf32, #tpu.memory_space<vmem>> -> memref<80x128xf32, #tpu.memory_space<vmem>>
    %dma_wait3A_218 = arith.constant 0 : i32
    %dma_wait3A_219 = arith.constant 0 : i32
    %dma_wait3A_220 = tpu.memref_slice %arg4[%dma_wait3A_218, %dma_wait3A_219] : memref<1600000x128xf32, #tpu.memory_space<hbm>> -> memref<80x128xf32, #tpu.memory_space<hbm>>
    %dma_wait3A_221 = arith.constant 0 : i32
    %dma_wait3A_222 = arith.constant 0 : i32
    %dma_wait3A_223 = tpu.memref_slice %arg4[%dma_wait3A_221, %dma_wait3A_222] : memref<1600000x128xf32, #tpu.memory_space<hbm>> -> memref<80x128xf32, #tpu.memory_space<hbm>>
    %dma_wait3A_224 = arith.constant 0 : i32
    %dma_wait3A_225 = arith.constant 0 : i32
    %dma_wait3A_226 = tpu.memref_slice %arg6[%dma_wait3A_213, %dma_wait3A_224, %dma_wait3A_225] : memref<2x400x128xf32, #tpu.memory_space<vmem>> -> memref<1x80x128xf32, #tpu.memory_space<vmem>>
    %dma_wait3A_227 = tpu.memref_squeeze %dma_wait3A_226 : memref<1x80x128xf32, #tpu.memory_space<vmem>> -> memref<80x128xf32, #tpu.memory_space<vmem>>
    tpu.wait_dma2 semaphore(%arg14 : memref<!tpu.dma_semaphore, #tpu.memory_space<semaphore_mem>>) src(%dma_wait3A_227 : memref<80x128xf32, #tpu.memory_space<vmem>>) dst(%dma_wait3A_223 : memref<80x128xf32, #tpu.memory_space<hbm>>)
    %dma_wait3A_228 = arith.constant 0 : i32
    %dma_wait3A_229 = arith.constant 0 : i32
    %dma_wait3A_230 = arith.constant 0 : i32
    %dma_wait3A_231 = tpu.memref_slice %arg6[%dma_wait3A_228, %dma_wait3A_229, %dma_wait3A_230] : memref<2x400x128xf32, #tpu.memory_space<vmem>> -> memref<1x80x128xf32, #tpu.memory_space<vmem>>
    %dma_wait3A_232 = tpu.memref_squeeze %dma_wait3A_231 : memref<1x80x128xf32, #tpu.memory_space<vmem>> -> memref<80x128xf32, #tpu.memory_space<vmem>>
    %dma_wait3A_233 = arith.constant 0 : i32
    %dma_wait3A_234 = arith.constant 0 : i32
    %dma_wait3A_235 = tpu.memref_slice %arg4[%dma_wait3A_233, %dma_wait3A_234] : memref<1600000x128xf32, #tpu.memory_space<hbm>> -> memref<80x128xf32, #tpu.memory_space<hbm>>
    %dma_wait3A_236 = arith.constant 0 : i32
    %dma_wait3A_237 = arith.constant 0 : i32
    %dma_wait3A_238 = tpu.memref_slice %arg4[%dma_wait3A_236, %dma_wait3A_237] : memref<1600000x128xf32, #tpu.memory_space<hbm>> -> memref<80x128xf32, #tpu.memory_space<hbm>>
    %dma_wait3A_239 = arith.constant 0 : i32
    %dma_wait3A_240 = arith.constant 0 : i32
    %dma_wait3A_241 = tpu.memref_slice %arg6[%dma_wait3A_228, %dma_wait3A_239, %dma_wait3A_240] : memref<2x400x128xf32, #tpu.memory_space<vmem>> -> memref<1x80x128xf32, #tpu.memory_space<vmem>>
    %dma_wait3A_242 = tpu.memref_squeeze %dma_wait3A_241 : memref<1x80x128xf32, #tpu.memory_space<vmem>> -> memref<80x128xf32, #tpu.memory_space<vmem>>
    tpu.wait_dma2 semaphore(%arg14 : memref<!tpu.dma_semaphore, #tpu.memory_space<semaphore_mem>>) src(%dma_wait3A_242 : memref<80x128xf32, #tpu.memory_space<vmem>>) dst(%dma_wait3A_238 : memref<80x128xf32, #tpu.memory_space<hbm>>)
    return
  }
}

</mosaic_0001>

<sc_bundles>
// kernel: kernel.3.cloned.1.call-start
scs
__scs_entry_jumppad:
0x0: {  	(pc) =	sbr.rel $0x88, $3  }
0x1: {  	(tag) =	ssettag $0x0;
	lr =	simm.s32 $0x1  }
0x2: {  	[smem:$0x3F9F] =	sst lr;
	_ =	strace $0xD0000000  }
0x3: {  	_ = 	snop  }
0x4: {  	_ = 	snop  }
0x5: {  	_ = 	snop  }
0x6: {  	_ = 	snop  }
0x7: {  	_ = 	snop  }
__scs_overlays_trampoline_lowered:
0x8: {  	[smem:$0x3FAE] =	sst s0  }
0x9: {  	[smem:$0x3FAF] =	sst s1  }
0xa: {  	[smem:$0x3FB0] =	sst s2  }
0xb: {  	[smem:$0x3FB1] =	sst s3  }
0xc: {  	[smem:$0x3FB2] =	sst s4  }
0xd: {  	[smem:$0x3FB3] =	sst s5  }
0xe: {  	[smem:$0x3FB4] =	sst s6  }
0xf: {  	[smem:$0x3FB5] =	sst s7  }
0x10: {  	[smem:$0x3FB6] =	sst s8  }
0x11: {  	[smem:$0x3FB7] =	sst s9;
	s0 =	simm.s32 @!p0 $0x0  }
0x12: {  	s1 =	sld [smem:$0x3F9D];
	s0 =	simm.s32 @p0 $0x1  }
0x13: {  	[smem:$0x3FB8] =	sst s0;
	s0 =	simm.s32 @!p1 $0x0  }
0x14: {  	s2 =	sld [smem:$0x3F9C];
	s0 =	simm.s32 @p1 $0x1  }
0x15: {  	[smem:$0x3FB9] =	sst s0;
	s0 =	simm.s32 @!p2 $0x0  }
0x16: {  	s3 =	sld [smem:$0x3FDB];
	s0 =	simm.s32 @p2 $0x1  }
0x17: {  	s4 =	simm.s32 $0x1BF5;
	[smem:$0x3FBB] =	sst s0  }
0x18: {  	s0 =	sld [smem:$0x3F9E];
	_ =	swait.ge [sflag:s4], $0x0  }
0x19: {  	s7 =	sld [smem:$0x3F9F]  }
0x1a: {  	s8 =	sadd.s32 $0xFFFFE003, lr  }
0x1b: {  	s9 =	sadd.s32 $0xFFFFFEF7, lr;
	s5 =	simm.s32 $0xFFFFFFFF;
	p2 =	slt.u32 s8, $0xFFFFF086  }
0x1c: {  	p1 =	slt.u32 s9, $0xF7A;
	s5 =	simm.s32 @!p2 $0x0  }
0x1d: {  	s5 =	simm.s32 @p1 $0x1;
	p0 =	seq.s32 s7, s2  }
0x1e: {  	s7 =	smul.u32 @!p0 $0xF7A, s2;
	p2 =	seq.s32 @!p0 s5, $0x0  }
0x1f: {  	s9 =	smul.u32 $0xF7A, s1;
	s8 =	simm.s32 @!p0 $0x1BF5;
	p2 =	por !p2, p0  }
0x20: {  	[sflag:s8] =	ssyncset.s32 @!p0 $0xFFFFF086;
	s6 =	sadd.s32 @!p0 s3, s7;
	s7 =	simm.s32 @!p0 $0x108  }
0x21: {  	s3 =	sadd.s32 s3, s9;
	s6 =	sadd.s32 @!p0 $0x88, s6;
	s7 =	simm.s32 @p2 $0x1082  }
0x22: {  	[simem:s7], [sflag:s8] =	dma.local @!p0 [hbm:s6], $0xF7A  }
0x23: {  	s9 =	sor.u32 $0xD0000000, s2;
	s6 =	simm.s32 $0x108;
	_ =	swait.ge @!p0 [sflag:s8], $0x0  }
0x24: {  	s3 =	sadd.s32 $0x88, s3;
	s6 =	simm.s32 @!p1 $0x1082;
	[sflag:s4] =	ssyncset.s32 $0xFFFFF086  }
0x25: {  	[simem:s6], [sflag:s4] =	dma.local [hbm:s3], $0xF7A  }
0x26: {  	[smem:$0x3F9F] =	sst s1;
	(tag) =	ssettag s2;
	_ =	strace s9  }
0x27: {  	s1 =	sld [smem:$0x3FAF]  }
0x28: {  	s2 =	sld [smem:$0x3FB0]  }
0x29: {  	s4 =	sld [smem:$0x3FB2]  }
0x2a: {  	p0 =	seq.s32 s5, $0x0;
	s5 =	sld [smem:$0x3FB3]  }
0x2b: {  	s6 =	sld [smem:$0x3FB4]  }
0x2c: {  	s7 =	sld [smem:$0x3FB5]  }
0x2d: {  	s3 =	simm.s32 $0x108;
	s8 =	sld [smem:$0x3FB6]  }
0x2e: {  	s3 =	simm.s32 @!p0 $0x1082;
	s9 =	sld [smem:$0x3FB7]  }
0x2f: {  	lr =	sadd.s32 s0, s3;
	s0 =	sld [smem:$0x3FAE]  }
0x30: {  	s3 =	sld [smem:$0x3FB1]  }
0x31: {  	[smem:$0x3FBA] =	sst s10  }
0x32: {  	s10 =	sld [smem:$0x3FB8];
	_ =	sdelay $0x3  }
0x33: {  	p0 =	seq.s32 s10, $0x1;
	s10 =	sld [smem:$0x3FBA];
	_ =	sdelay $0x3  }
0x34: {  	[smem:$0x3FBA] =	sst s10  }
0x35: {  	s10 =	sld [smem:$0x3FB9];
	_ =	sdelay $0x3  }
0x36: {  	p1 =	seq.s32 s10, $0x1;
	s10 =	sld [smem:$0x3FBA];
	_ =	sdelay $0x3  }
0x37: {  	[smem:$0x3FBA] =	sst s10  }
0x38: {  	s10 =	sld [smem:$0x3FBB]  }
0x39: {  	_ = 	snop;
	(pc) =	sbr.ind lr, $3  }
0x3a: {  	_ = 	snop  }
0x3b: {  	_ = 	snop  }
0x3c: {  	p2 =	seq.s32 s10, $0x1;
	s10 =	sld [smem:$0x3FBA]  }
0x3d: {  	_ =	shalt  }
0x3e: {  	_ =	shalt  }
0x3f: {  	_ =	shalt  }
0x40: {  	_ =	shalt  }
0x41: {  	_ =	shalt  }
0x42: {  	_ =	shalt  }
0x43: {  	_ =	shalt  }
0x44: {  	_ =	shalt  }
0x45: {  	_ =	shalt  }
0x46: {  	_ =	shalt  }
0x47: {  	_ =	shalt  }
0x48: {  	_ =	shalt  }
0x49: {  	_ =	shalt  }
0x4a: {  	_ =	shalt  }
0x4b: {  	_ =	shalt  }
0x4c: {  	_ =	shalt  }
0x4d: {  	_ =	shalt  }
0x4e: {  	_ =	shalt  }
0x4f: {  	_ =	shalt  }
0x50: {  	_ =	shalt  }
0x51: {  	_ =	shalt  }
0x52: {  	_ =	shalt  }
0x53: {  	_ =	shalt  }
0x54: {  	_ =	shalt  }
0x55: {  	_ =	shalt  }
0x56: {  	_ =	shalt  }
0x57: {  	_ =	shalt  }
0x58: {  	_ =	shalt  }
0x59: {  	_ =	shalt  }
0x5a: {  	_ =	shalt  }
0x5b: {  	_ =	shalt  }
0x5c: {  	_ =	shalt  }
0x5d: {  	_ =	shalt  }
0x5e: {  	_ =	shalt  }
0x5f: {  	_ =	shalt  }
0x60: {  	_ =	shalt  }
0x61: {  	_ =	shalt  }
0x62: {  	_ =	shalt  }
0x63: {  	_ =	shalt  }
0x64: {  	_ =	shalt  }
0x65: {  	_ =	shalt  }
0x66: {  	_ =	shalt  }
0x67: {  	_ =	shalt  }
0x68: {  	_ =	shalt  }
0x69: {  	_ =	shalt  }
0x6a: {  	_ =	shalt  }
0x6b: {  	_ =	shalt  }
0x6c: {  	_ =	shalt  }
0x6d: {  	_ =	shalt  }
0x6e: {  	_ =	shalt  }
0x6f: {  	_ =	shalt  }
0x70: {  	_ =	shalt  }
0x71: {  	_ =	shalt  }
0x72: {  	_ =	shalt  }
0x73: {  	_ =	shalt  }
0x74: {  	_ =	shalt  }
0x75: {  	_ =	shalt  }
0x76: {  	_ =	shalt  }
0x77: {  	_ =	shalt  }
0x78: {  	_ =	shalt  }
0x79: {  	_ =	shalt  }
0x7a: {  	_ =	shalt  }
0x7b: {  	_ =	shalt  }
0x7c: {  	_ =	shalt  }
0x7d: {  	_ =	shalt  }
0x7e: {  	_ =	shalt  }
0x7f: {  	_ =	shalt  }
0x80: {  	_ =	shalt  }
0x81: {  	_ =	shalt  }
0x82: {  	_ =	shalt  }
0x83: {  	_ =	shalt  }
0x84: {  	_ =	shalt  }
0x85: {  	_ =	shalt  }
0x86: {  	_ =	shalt  }
0x87: {  	_ =	shalt  }
.Lfunc_end0:
.L_simem_size_0:
called_computation_lowered:
.L_overlay_start_0:
0x88: {  	s2 =	sld [smem:$0x3FD9]  }
0x89: {  	s3 =	sld [smem:$0x3FFE];
	_ =	sdelay $0x1  }
0x8a: {  	s1 =	srdreg.scid  }
0x8b: {  	s0 =	sand.u32 $0x1, s1  }
0x8c: {  	s17 =	sshll.u32 s0, $0xA;
	s2 =	sadd.s32 s3, s2  }
0x8d: {  	s2 =	sadd.s32 s2, s17  }
0x8e: {  	[smem:$0x3FC6] =	sst s2  }
0x8f: {  	_ = 	snop  }
0x90: {  	s2 =	sld [smem:$0x3FC8]  }
0x91: {  	s18 =	sld [smem:$0x3FD0];
	(tm) =	ssettm $0x1  }
0x92: {  	s4 =	sld [smem:$0x3FFB];
	_ =	sdelay $0x3  }
0x93: {  	_ =	strace s4  }
0x94: {  	s4 =	sld [smem:$0x3FFC];
	_ =	sdelay $0x3  }
0x95: {  	_ =	strace s4  }
0x96: {  	s4 =	sld [smem:$0x3FFD];
	_ =	sdelay $0x3  }
0x97: {  	_ =	strace s4  }
0x98: {  	_ =	strace $0x8FFFFFFF  }
0x99: {  	s19 =	sld [smem:$0x3FDB];
	_ =	sdelay $0x1  }
0x9a: {  	s5 =	simm.s32 $_scs_section_size  }
0x9b: {  	s6 =	simm.s32 $_size__tile_overlayer_lowered;
	s7 =	simm.s32 $_tile_overlayer_lowered  }
0x9c: {  	s22 =	simm.s32 $0x1BFF;
	s21 =	sshll.u32 s7, $0x1;
	s4 =	sadd.s32 s5, s19  }
0x9d: {  	s8 =	simm.s32 $0x0;
	s20 =	sshll.u32 s6, $0x1;
	s6 =	sadd.s32 s21, s4  }
0x9e: {  	[timem:s8], [sflag:s22] =	dma.local [hbm:s6], s20  }
0x9f: {  	_ =	swait.ge [sflag:s22], s20  }
0xa0: {  	s5 =	ssub.s32 $0x0, s20;
	[sflag:s22] =	ssyncset.done $0x0  }
0xa1: {  	[sflag:s22] =	ssyncadd.s32 s5;
	_ =	sdelay $0x1  }
0xa2: {  	s23 =	simm.s32 $0x1B8B  }
0xa3: {  	_ =	swait.ge [sflag:s23], $0x1  }
0xa4: {  	[sflag:s23] =	ssyncset.done $0x0  }
0xa5: {  	s25 =	simm.s32 $0x1B8E;
	s24 =	sld [smem:$0x3FFE];
	[sflag:s23] =	ssyncadd.s32 $0xFFFFFFFF  }
0xa6: {  	s26 =	simm.s32 $execute0_lowered;
	[smem:$0x3FD2] =	sst s25  }
0xa7: {  	s6 =	sshll.u32 s26, $0x1;
	_ =	strace $0x80000046;
	[dreg:$0x1] =	wrdreg $0xFFFFFFFF  }
0xa8: {  	s28 =	simm.s32 $_size_execute0_lowered;
	s4 =	sadd.s32 s4, s6;
	[dreg:$0x0] =	wrdreg $0x0  }
0xa9: {  	s6 =	sshll.u32 s28, $0x1;
	[dreg:$0x2] =	wrdreg s4  }
0xaa: {  	[dreg:$0x3] =	wrdreg s6  }
0xab: {  	[dreg:$0x4] =	wrdreg $0xC0  }
0xac: {  	_ =	task [dreg:s8], $0x5FFFF  }
0xad: {  	[dreg:$0x1] =	wrdreg $0xFFFFFFFF  }
0xae: {  	[dreg:$0x0] =	wrdreg $0x60  }
0xaf: {  	[dreg:$0x2] =	wrdreg s24  }
0xb0: {  	[dreg:$0x3] =	wrdreg s2  }
0xb1: {  	[dreg:$0x4] =	wrdreg s18  }
0xb2: {  	[dreg:$0x5] =	wrdreg $0x1A0000  }
0xb3: {  	[dreg:$0x6] =	wrdreg $0x9  }
0xb4: {  	_ =	task.clear_ibuf [dreg:s8], $0x7FFFF;
	_ =	strace $0x90000046  }
0xb5: {  	s29 =	simm.s32 $0x9;
	_ =	strace $0x80000048  }
0xb6: {  	_ =	swait.ge [sflag:s29], $0x1  }
0xb7: {  	[sflag:s29] =	ssyncadd.s32 $0xFFFFFFFF  }
0xb8: {  	_ =	strace $0x90000048  }
0xb9: {  	_ =	sfence  }
0xba: {  	s30 =	sld [smem:$0x0];
	_ =	sdelay $0x2  }
0xbb: {  	s31 =	sshll.u32 s1, $0xD;
	s1 =	sshrl.u32 s1, $0x2  }
0xbc: {  	s3 =	sand.u32 $0x4000, s31;
	s1 =	sadd.s32 s1, s30  }
0xbd: {  	s0 =	sor.u32 s3, s0;
	s1 =	sshll.u32 s1, $0x11  }
0xbe: {  	s0 =	sor.u32 s1, s0  }
0xbf: {  	s0 =	sadd.s32 $0x8F2B, s0  }
0xc0: {  	[sflag:s0] =	ssyncadd.remote.s32 $0x1  }
0xc1: {  	_ =	sfence.sel $0xFFFF  }
0xc2: {  	[dreg:$0x0] =	wrdreg $0xFFFFFFFF;
	(pc) =	sbr.abs _section_cstart, $3  }
0xc3: {  	[dreg:$0x1] =	wrdreg $0xFFFFFFFF  }
0xc4: {  	_ =	task.clear_ibuf [dreg:s8], $0x2FFFF;
	_ =	strace $0x9FFFFFFF  }
0xc5: {  	(tm) =	ssettm $0x7FFFFFFF  }
tec
execute0_lowered:
.L_overlay_start_1:
0x0: {  	(tag) =	ssettag $0x1  }
0x1: {  	s1 =	rddreg [dreg:$0x0];
	s2 =	srdreg.scid  }
0x2: {  	s9 =	stileid.u32;
	s7 =	rddreg [dreg:$0x2]  }
0x3: {  	s21 =	simm.s32 $0xB000;
	s22 =	simm.s32 $0x1;
	s23 =	simm.s32 $0x3  }
0x4: {  	s24 =	simm.s32 $0x5;
	s25 =	simm.s32 $0x7;
	s26 =	simm.s32 $0x0  }
0x5: {  	s6 =	sand.u32 $0x1, s2;
	s3 =	sshll.u32 s9, $0x1;
	s8 =	smul.u32 $0x3E800, s9  }
0x6: {  	s2 =	rddreg [dreg:$0x3];
	s1 =	sadd.s32 $0x400, s1;
	s30 =	smul.u32 $0x186A00, s9  }
0x7: {  	p0 =	sne.s32 s9, $0x0;
	s4 =	sor.u32 s6, s3;
	s11 =	smul.u32 $0x1F400, s6  }
0x8: {  	s3 =	simm.s32 $0x0;
	s5 =	ssub.s32 $0x2, s6;
	s12 =	smul.u32 $0xC3500, s6  }
0x9: {  	s9 =	sshrl.u32 @!p0 s2, $0x3;
	s4 =	smul.u32 $0x1F400, s4;
	[smem:$0x7FF] =	sst s3  }
0xa: {  	s10 =	sshrl.u32 s5, $0x1;
	s31 =	sadd.s32 s30, s7;
	_ =	strace $0x80000047  }
0xb: {  	s10 =	ssub.s32 s5, s10;
	s8 =	sadd.s32 s11, s8;
	s4 =	sshrl.u32 s4, $0x3  }
0xc: {  	s8 =	sadd.s32 $0x800, s8;
	s6 =	smax.u32 s10, $0x1;
	s4 =	sadd.s32 s1, s4  }
0xd: {  	s10 =	simm.s32 $0x8;
	s8 =	sshrl.u32 s8, $0x3;
	s5 =	sadd.s32 $0x80, s4  }
0xe: {  	s7 =	sadd.s32 s8, s1;
	s8 =	sadd.s32 s12, s31;
	s12 =	simm.s32 $0x50  }
.LBB2_1:
0xf: {  	s1 =	simm.s32 @!p0 $0x1C08;
	s0 =	rddreg [dreg:$0x1]  }
0x10: {  	[spmem:s9], [sflag:s1] =	dma.local @!p0 [hbm:s0], $0x100  }
0x11: {  	s1 =	simm.s32 @!p0 $0x8  }
0x12: {  	_ =	swait.ge @!p0 [sflag:s1], $0x100  }
0x13: {  	[sflag:s1] =	ssyncset.done @!p0 $0x0  }
0x14: {  	[sflag:s1] =	ssyncadd.s32 @!p0 $0xFFFFFF00  }
0x15: {  	[bflag:$0x0] =	sbarrier.arrive $0xFFFF  }
0x16: {  	[tilespmem:s3], [sflag:$0x8] =	stream.linear.gather [hbm4b:s4+s3], $0x280, $0x38;
	[tilespmem:$0x1A080] =	vst v63  }
0x17: {  	_ =	swait.ge [sflag:s10], $0x280  }
0x18: {  	[sflag:s10] =	ssyncset.done $0x0  }
0x19: {  	s11 =	simm.s32 $0x400;
	[sflag:s10] =	ssyncadd.s32 $0xFFFFFD80  }
0x1a: {  	[tilespmem:s11], [sflag:$0x6] =	stream.linear.gather [hbm4b:s5+s3], $0x280, $0x38;
	[tilespmem:$0x1A080] =	vst v63  }
0x1b: {  	s13 =	simm.s32 $0x1000  }
0x1c: {  	[tilespmem:s13], [sflag:$0x1] =	stream.indirect.gather [spmem:s2], $0x80, s3, s12, $0xb8;
	[tilespmem:$0x1A080] =	vst v63  }
0x1d: {  	s14 =	simm.s32 $0x80;
	s15 =	simm.s32 $0x3800  }
0x1e: {  	[tilespmem:s15], [sflag:$0x2] =	stream.indirect.gather [spmem:s2], $0x80, s14, s12, $0xb8;
	[tilespmem:$0x1A080] =	vst v63  }
0x1f: {  	s16 =	simm.s32 $0x100;
	s17 =	simm.s32 $0x6000;
	s18 =	simm.s32 $0x180  }
0x20: {  	[tilespmem:s17], [sflag:$0x3] =	stream.indirect.gather [spmem:s2], $0x80, s16, s12, $0xb8;
	[tilespmem:$0x1A080] =	vst v63  }
0x21: {  	s19 =	simm.s32 $0x8800;
	s20 =	simm.s32 $0x200;
	s28 =	simm.s32 $0x2000  }
0x22: {  	[tilespmem:s19], [sflag:$0x4] =	stream.indirect.gather [spmem:s2], $0x80, s18, s12, $0xb8;
	[tilespmem:$0x1A080] =	vst v63  }
0x23: {  	s29 =	smov.u32 s7;
	s30 =	simm.s32 $0x0;
	s31 =	simm.s32 $0x0  }
0x24: {  	[tilespmem:s21], [sflag:$0x5] =	stream.indirect.gather [spmem:s2], $0x80, s20, s12, $0xb8;
	[tilespmem:$0x1A080] =	vst v63  }
.LBB2_2:
0x25: {  	p1 =	seq.s32 s30, $0xC1C00  }
0x26: {  	s1 =	simm.s32 @!p1 $0x6  }
0x27: {  	p3 =	seq.s32 @!p1 s30, $0x0;
	_ =	swait.ge @!p1 [sflag:s1], $0x280  }
0x28: {  	p2 =	por p3, p1;
	[sflag:s1] =	ssyncset.done @!p1 $0x0  }
0x29: {  	[sflag:s1] =	ssyncadd.s32 @!p1 $0xFFFFFD80;
	s1 =	simm.s32 @!p2 $0x7  }
0x2a: {  	_ =	swait.ge @!p2 [sflag:s1], $0x2800  }
0x2b: {  	[sflag:s1] =	ssyncset.done @!p2 $0x0  }
0x2c: {  	[sflag:s1] =	ssyncadd.s32 @!p2 $0xFFFFD800  }
0x2d: {  	_ =	swait.ge @!p2 [sflag:s1], $0x2800  }
0x2e: {  	[sflag:s1] =	ssyncset.done @!p2 $0x0  }
0x2f: {  	[sflag:s1] =	ssyncadd.s32 @!p2 $0xFFFFD800  }
0x30: {  	_ =	swait.ge @!p2 [sflag:s1], $0x2800  }
0x31: {  	[sflag:s1] =	ssyncset.done @!p2 $0x0  }
0x32: {  	[sflag:s1] =	ssyncadd.s32 @!p2 $0xFFFFD800  }
0x33: {  	_ =	swait.ge @!p2 [sflag:s1], $0x2800  }
0x34: {  	[sflag:s1] =	ssyncset.done @!p2 $0x0  }
0x35: {  	p4 =	sgt.u32 @!p2 s31, $0x7A;
	[sflag:s1] =	ssyncadd.s32 @!p2 $0xFFFFD800  }
0x36: {  	p3 =	por @!p1 p3, !p4;
	_ =	swait.ge @!p2 [sflag:s1], $0x2800  }
0x37: {  	p3 =	por p1, !p3;
	[sflag:s1] =	ssyncset.done @!p2 $0x0  }
0x38: {  	s0 =	sand.u32 $0x1, s31;
	[sflag:s1] =	ssyncadd.s32 @!p2 $0xFFFFD800;
	s1 =	sand.u32 @!p3 $0x3000, s28  }
0x39: {  	s20 =	smul.u32 $0x32000, s0;
	s1 =	sshrl.u32 @!p3 s1, $0x2  }
0x3a: {  	[tilespmem:s1], [sflag:$0x6] =	stream.linear.gather @!p3 [hbm4b:s29+s3], $0x280, $0x38;
	[tilespmem:$0x1A080] =	vst v63  }
0x3b: {  	_ =	swait.ge [sflag:s22], $0x2800  }
0x3c: {  	s1 =	sshrl.u32 s20, $0x2;
	[sflag:s22] =	ssyncset.done $0x0  }
0x3d: {  	s13 =	sadd.s32 s30, s8;
	s11 =	sadd.s32 $0x1000, s1;
	[sflag:s22] =	ssyncadd.s32 $0xFFFFD800  }
0x3e: {  	[hbm4b:s13+s3] =	stream.linear.scatter [tilespmem:s11], [sflag:$0x7], $0x2800, $0x38;
	[tilespmem:$0x1A080] =	vst v63  }
0x3f: {  	s14 =	sadd.s32 $0x1, s31;
	s11 =	simm.s32 @p1 $0x2  }
0x40: {  	s15 =	sadd.s32 @p1 s30, s8;
	s0 =	sxor.u32 @!p1 $0x1, s0;
	_ =	swait.ge @p1 [sflag:s11], $0x2800  }
0x41: {  	s17 =	simm.s32 @p1 $0x0;
	s16 =	sadd.s32 @p1 $0x500, s15;
	[sflag:s11] =	ssyncset.done @p1 $0x0  }
0x42: {  	s0 =	smul.u32 @!p1 $0x32000, s0;
	[sflag:s11] =	ssyncadd.s32 @p1 $0xFFFFD800;
	s11 =	sadd.s32 @p1 $0x3800, s1  }
0x43: {  	[hbm4b:s16+s17] =	stream.linear.scatter @p1 [tilespmem:s11], [sflag:$0x7], $0x2800, $0x38;
	[tilespmem:$0x1A080] =	vst v63  }
0x44: {  	s0 =	sshrl.u32 @!p1 s0, $0x2;
	s11 =	sand.u32 $0x3, s14  }
0x45: {  	s14 =	sadd.s32 @!p1 $0x1000, s0;
	s16 =	simm.s32 @!p1 $0x50;
	s11 =	sshll.u32 @!p1 s11, $0xA  }
0x46: {  	[tilespmem:s14], [sflag:$0x1] =	stream.indirect.gather @!p1 [spmem:s2], $0x80, s11, s16, $0xb8;
	[tilespmem:$0x1A080] =	vst v63  }
0x47: {  	s14 =	simm.s32 @!p1 $0x2  }
0x48: {  	_ =	swait.ge @!p1 [sflag:s14], $0x2800  }
0x49: {  	[sflag:s14] =	ssyncset.done @!p1 $0x0  }
0x4a: {  	[sflag:s14] =	ssyncadd.s32 @!p1 $0xFFFFD800;
	s14 =	sadd.s32 @!p1 s30, s8  }
0x4b: {  	s20 =	simm.s32 @!p1 $0x0;
	s18 =	sadd.s32 @!p1 $0x3800, s1;
	s19 =	sadd.s32 @!p1 $0x500, s14  }
0x4c: {  	[hbm4b:s19+s20] =	stream.linear.scatter @!p1 [tilespmem:s18], [sflag:$0x7], $0x2800, $0x38;
	[tilespmem:$0x1A080] =	vst v63  }
0x4d: {  	s18 =	sadd.s32 @!p1 $0x3800, s0;
	s19 =	sor.u32 @!p1 $0x80, s11  }
0x4e: {  	[tilespmem:s18], [sflag:$0x2] =	stream.indirect.gather @!p1 [spmem:s2], $0x80, s19, s16, $0xb8;
	[tilespmem:$0x1A080] =	vst v63  }
0x4f: {  	_ =	swait.ge [sflag:s23], $0x2800  }
0x50: {  	[sflag:s23] =	ssyncset.done $0x0  }
0x51: {  	s18 =	sadd.s32 $0x6000, s1;
	s19 =	sadd.s32 $0xA00, s13;
	[sflag:s23] =	ssyncadd.s32 $0xFFFFD800  }
0x52: {  	[hbm4b:s19+s3] =	stream.linear.scatter [tilespmem:s18], [sflag:$0x7], $0x2800, $0x38;
	[tilespmem:$0x1A080] =	vst v63  }
0x53: {  	s18 =	simm.s32 @p1 $0x4  }
0x54: {  	_ =	swait.ge @p1 [sflag:s18], $0x2800  }
0x55: {  	[sflag:s18] =	ssyncset.done @p1 $0x0  }
0x56: {  	s15 =	sadd.s32 @p1 $0xF00, s15;
	[sflag:s18] =	ssyncadd.s32 @p1 $0xFFFFD800;
	s18 =	sadd.s32 @p1 $0x8800, s1  }
0x57: {  	[hbm4b:s15+s17] =	stream.linear.scatter @p1 [tilespmem:s18], [sflag:$0x7], $0x2800, $0x38;
	[tilespmem:$0x1A080] =	vst v63  }
0x58: {  	s15 =	sadd.s32 @!p1 $0x6000, s0;
	s17 =	sor.u32 @!p1 $0x100, s11  }
0x59: {  	[tilespmem:s15], [sflag:$0x3] =	stream.indirect.gather @!p1 [spmem:s2], $0x80, s17, s16, $0xb8;
	[tilespmem:$0x1A080] =	vst v63  }
0x5a: {  	s15 =	simm.s32 @!p1 $0x4  }
0x5b: {  	_ =	swait.ge @!p1 [sflag:s15], $0x2800  }
0x5c: {  	s30 =	sadd.s32 @!p1 $0x1900, s30;
	[sflag:s15] =	ssyncset.done @!p1 $0x0  }
0x5d: {  	s14 =	sadd.s32 @!p1 $0xF00, s14;
	[sflag:s15] =	ssyncadd.s32 @!p1 $0xFFFFD800;
	s15 =	sadd.s32 @!p1 $0x8800, s1  }
0x5e: {  	[hbm4b:s14+s20] =	stream.linear.scatter @!p1 [tilespmem:s15], [sflag:$0x7], $0x2800, $0x38;
	[tilespmem:$0x1A080] =	vst v63  }
0x5f: {  	p2 =	sne.s32 @!p1 s30, $0xC3500;
	s14 =	sadd.s32 @!p1 $0x8800, s0;
	s15 =	sor.u32 @!p1 $0x180, s11  }
0x60: {  	[tilespmem:s14], [sflag:$0x4] =	stream.indirect.gather @!p1 [spmem:s2], $0x80, s15, s16, $0xb8;
	[tilespmem:$0x1A080] =	vst v63  }
0x61: {  	s31 =	sadd.s32 @!p1 $0x1, s31;
	p2 =	por p1, !p2;
	_ =	swait.ge [sflag:s24], $0x2800  }
.Ltmp0:
0x62: {  	s28 =	sadd.s32 @!p1 $0x1000, s28;
	[sflag:s24] =	ssyncset.done $0x0;
	(pc) =	sbr.rel @!p2 .LBB2_2-.Ltmp0, $4  }
0x63: {  	s13 =	sadd.s32 $0x1400, s13;
	s1 =	sadd.s32 $0xB000, s1;
	[sflag:s24] =	ssyncadd.s32 $0xFFFFD800  }
0x64: {  	[hbm4b:s13+s3] =	stream.linear.scatter [tilespmem:s1], [sflag:$0x7], $0x2800, $0x38;
	[tilespmem:$0x1A080] =	vst v63  }
0x65: {  	s29 =	sadd.s32 @!p1 $0x80, s29;
	s0 =	sadd.s32 @!p1 $0xB000, s0;
	s1 =	sor.u32 @!p1 $0x200, s11  }
0x66: {  	[tilespmem:s0], [sflag:$0x5] =	stream.indirect.gather @!p1 [spmem:s2], $0x80, s1, s16, $0xb8;
	[tilespmem:$0x1A080] =	vst v63  }
0x67: {  	_ =	swait.ge [sflag:s25], $0x2800  }
0x68: {  	[sflag:s25] =	ssyncset.done $0x0  }
0x69: {  	[sflag:s25] =	ssyncadd.s32 $0xFFFFD800  }
0x6a: {  	_ =	swait.ge [sflag:s25], $0x2800  }
0x6b: {  	[sflag:s25] =	ssyncset.done $0x0  }
0x6c: {  	[sflag:s25] =	ssyncadd.s32 $0xFFFFD800  }
0x6d: {  	_ =	swait.ge [sflag:s25], $0x2800  }
0x6e: {  	[sflag:s25] =	ssyncset.done $0x0  }
0x6f: {  	[sflag:s25] =	ssyncadd.s32 $0xFFFFD800  }
0x70: {  	_ =	swait.ge [sflag:s25], $0x2800  }
0x71: {  	[sflag:s25] =	ssyncset.done $0x0  }
0x72: {  	[sflag:s25] =	ssyncadd.s32 $0xFFFFD800  }
0x73: {  	_ =	swait.ge [sflag:s25], $0x2800  }
0x74: {  	[sflag:s25] =	ssyncset.done $0x0  }
0x75: {  	[sflag:s25] =	ssyncadd.s32 $0xFFFFD800  }
0x76: {  	_ =	swait.ge [sflag:s25], $0x2800  }
0x77: {  	[sflag:s25] =	ssyncset.done $0x0  }
0x78: {  	[sflag:s25] =	ssyncadd.s32 $0xFFFFD800  }
0x79: {  	_ =	swait.ge [sflag:s25], $0x2800  }
0x7a: {  	[sflag:s25] =	ssyncset.done $0x0  }
0x7b: {  	[sflag:s25] =	ssyncadd.s32 $0xFFFFD800  }
0x7c: {  	_ =	swait.ge [sflag:s25], $0x2800  }
0x7d: {  	[sflag:s25] =	ssyncset.done $0x0  }
0x7e: {  	s26 =	sadd.s32 $0x1, s26;
	[sflag:s25] =	ssyncadd.s32 $0xFFFFD800  }
0x7f: {  	p1 =	sne.s32 s26, s6;
	_ =	swait.ge [sflag:s25], $0x2800  }
.Ltmp1:
0x80: {  	[sflag:s25] =	ssyncset.done $0x0;
	(pc) =	sbr.rel @p1 .LBB2_1-.Ltmp1, $4  }
0x81: {  	[sflag:s25] =	ssyncadd.s32 $0xFFFFD800  }
0x82: {  	_ =	swait.ge [sflag:s25], $0x2800  }
0x83: {  	[sflag:s25] =	ssyncset.done $0x0  }
0x84: {  	[sflag:s25] =	ssyncadd.s32 $0xFFFFD800  }
0x85: {  	_ =	sfence.sel $0x180000  }
0x86: {  	[bflag:$0x0] =	sbarrier.arrive $0xFFFF  }
0x87: {  	_ =	strace $0x90000047  }
0x88: {  	[bflag:$0x2] =	sbarrier.arrive $0xFFFF  }
0x89: {  	s0 =	rddreg [dreg:$0x4]  }
0x8a: {  	s0 =	sadd.s32 @!p0 $0x100000, s0  }
0x8b: {  	[sflag:s0] =	ssyncadd.tile.s32 @!p0 $0x1;
	_ =	shalt  }
.Lfunc_end2:
_tile_overlayer_lowered:
.L_overlay_start_2:
0x8c: {  	(tag) =	ssettag $0x2  }
0x8d: {  	s0 =	rddreg [dreg:$0x0];
	s2 =	stileid.u32  }
0x8e: {  	s1 =	rddreg [dreg:$0x1];
	p0 =	sne.s32 s2, $0x0  }
0x8f: {  	s3 =	rddreg [dreg:$0x2];
	[bflag:$0x3] =	sbarrier.arrive $0xFFFF;
	s2 =	simm.s32 @!p0 $0x1C08  }
0x90: {  	[timem:s3], [sflag:s2] =	dma.local @!p0 [hbm:s0], s1  }
0x91: {  	s0 =	simm.s32 @!p0 $0x8  }
0x92: {  	_ =	swait.ge @!p0 [sflag:s0], s1  }
0x93: {  	s1 =	ssub.s32 @!p0 $0x0, s1;
	[sflag:s0] =	ssyncset.done @!p0 $0x0  }
0x94: {  	[sflag:s0] =	ssyncadd.s32 @!p0 s1  }
0x95: {  	[bflag:$0x3] =	sbarrier.arrive $0xFFFF  }
0x96: {  	_ =	shalt  }

</sc_bundles>
